<compile_context>
chip_gen: v7x
topology: tpu7x:2x2x1
jax: 0.10.2.dev20260603
libtpu: 0.0.44.dev20260713+nightly
codegen_flags: <defaults>
</compile_context>

<pallas_src>
import dataclasses
import functools

import jax
import jax.numpy as jnp
from jax import lax
from jax.experimental import pallas as pl
from jax.experimental.pallas import tpu as pltpu
from jax.experimental.pallas import tpu_sc as plsc

N_NODES = 10000
N_EDGES = 320000
D = 128

NC = 2
NS = 16
CHUNK = 128
NCH = (79, 79)
NCHMAX = max(NCH)
EDGES_C = tuple(n * CHUNK for n in NCH)
ROWS_PER_TILE = 624
ROWS_TAIL = N_NODES - NS * ROWS_PER_TILE

_FB = D // 16


def _sc_scatter_body(hr_hbm, src_hbm, dst_hbm, wpk_hbm, zeros_hbm, out_hbm,
                     src_v, dst_v, wpk_v, rows_v, acc_sh, sem):
    cid = lax.axis_index("c")
    sid = lax.axis_index("s")

    pltpu.sync_copy(zeros_hbm.at[pl.ds(sid * ROWS_PER_TILE, ROWS_PER_TILE)],
                    acc_sh.at[pl.ds(sid * ROWS_PER_TILE, ROWS_PER_TILE)])

    @pl.when(sid == NS - 1)
    def _zero_tail():
        pltpu.sync_copy(zeros_hbm.at[pl.ds(NS * ROWS_PER_TILE, ROWS_TAIL)],
                        acc_sh.at[pl.ds(NS * ROWS_PER_TILE, ROWS_TAIL)])

    plsc.subcore_barrier()

    pltpu.sync_copy(src_hbm.at[cid, sid], src_v)
    pltpu.sync_copy(dst_hbm.at[cid, sid], dst_v)
    pltpu.sync_copy(wpk_hbm.at[cid, sid], wpk_v)

    nchunk = jnp.where(cid == 0, NCH[0], NCH[1])

    @pl.loop(0, nchunk)
    def _chunk(j):
        pltpu.async_copy(hr_hbm.at[src_v.at[j]], rows_v, sem).wait()
        base_pair = j * (CHUNK // 2)

        @pl.loop(0, CHUNK)
        def _edge(e):
            vp = plsc.load_gather(
                wpk_v, [jnp.full((16,), base_pair, jnp.int32) + (e >> 1)])
            lo = plsc.bitcast(vp << 16, jnp.float32)
            hi = plsc.bitcast(vp & jnp.int32(-65536), jnp.float32)
            wv = jnp.where((e & 1) == 1, hi, lo)
            for fb in range(_FB):
                sl = pl.ds(fb * 16, 16)
                rows_v[e, sl] = rows_v[e, sl] * wv

        pltpu.sync_copy(rows_v, acc_sh.at[dst_v.at[j]], add=True)

    plsc.subcore_barrier()
    pltpu.sync_copy(acc_sh.at[pl.ds(sid * ROWS_PER_TILE, ROWS_PER_TILE)],
                    out_hbm.at[cid, pl.ds(sid * ROWS_PER_TILE, ROWS_PER_TILE)])

    @pl.when(sid == NS - 1)
    def _write_tail():
        pltpu.sync_copy(acc_sh.at[pl.ds(NS * ROWS_PER_TILE, ROWS_TAIL)],
                        out_hbm.at[cid, pl.ds(NS * ROWS_PER_TILE, ROWS_TAIL)])


def _sc_scatter(hr, src_p, dst_p, w_pk, zeros):
    mesh = plsc.VectorSubcoreMesh(core_axis_name="c", subcore_axis_name="s")
    cp = pltpu.CompilerParams()
    if "needs_layout_passes" in pltpu.CompilerParams.__dataclass_fields__:
        cp = dataclasses.replace(cp, needs_layout_passes=False)
    kern = pl.kernel(
        _sc_scatter_body,
        compiler_params=cp,
        out_type=jax.ShapeDtypeStruct((NC, N_NODES, D), jnp.float32),
        mesh=mesh,
        scratch_types=[
            pltpu.VMEM((NCHMAX, CHUNK), jnp.int32),
            pltpu.VMEM((NCHMAX, CHUNK), jnp.int32),
            pltpu.VMEM((NCHMAX * CHUNK // 2,), jnp.int32),
            pltpu.VMEM((CHUNK, D), jnp.float32),
            pltpu.VMEM_SHARED((N_NODES, D), jnp.float32),
            pltpu.SemaphoreType.DMA,
        ],
    )
    return kern(hr, src_p, dst_p, w_pk, zeros)


_BLK = 2000


def _pre_body(h_ref, wr_ref, wo_ref, b_ref, hr_ref, base_ref):
    h = h_ref[...]
    hr_ref[...] = jnp.dot(h, wr_ref[...], preferred_element_type=jnp.float32)
    base_ref[...] = (
        jnp.dot(h, wo_ref[...], preferred_element_type=jnp.float32)
        + b_ref[...]
    )


def _dense_pre(h, w_rel, w_root, b_rel):
    return pl.pallas_call(
        _pre_body,
        grid=(N_NODES // _BLK,),
        in_specs=[
            pl.BlockSpec((_BLK, D), lambda i: (i, 0)),
            pl.BlockSpec((D, D), lambda i: (0, 0)),
            pl.BlockSpec((D, D), lambda i: (0, 0)),
            pl.BlockSpec((1, D), lambda i: (0, 0)),
        ],
        out_specs=[
            pl.BlockSpec((_BLK, D), lambda i: (i, 0)),
            pl.BlockSpec((_BLK, D), lambda i: (i, 0)),
        ],
        out_shape=[
            jax.ShapeDtypeStruct((N_NODES, D), jnp.float32),
            jax.ShapeDtypeStruct((N_NODES, D), jnp.float32),
        ],
    )(h, w_rel, w_root, b_rel.reshape(1, D))


def _mid_body(p_ref, base_ref, wr_ref, wo_ref, b_ref, hr_ref, base2_ref):
    h = p_ref[0] + p_ref[1] + base_ref[...]
    h = jnp.where(h > 0, h, jnp.exp(jnp.minimum(h, 0.0)) - 1.0)
    hr_ref[...] = jnp.dot(h, wr_ref[...], preferred_element_type=jnp.float32)
    base2_ref[...] = (
        jnp.dot(h, wo_ref[...], preferred_element_type=jnp.float32)
        + b_ref[...]
    )


def _dense_mid(p, base, w_rel, w_root, b_rel):
    return pl.pallas_call(
        _mid_body,
        grid=(N_NODES // _BLK,),
        in_specs=[
            pl.BlockSpec((NC, _BLK, D), lambda i: (0, i, 0)),
            pl.BlockSpec((_BLK, D), lambda i: (i, 0)),
            pl.BlockSpec((D, D), lambda i: (0, 0)),
            pl.BlockSpec((D, D), lambda i: (0, 0)),
            pl.BlockSpec((1, D), lambda i: (0, 0)),
        ],
        out_specs=[
            pl.BlockSpec((_BLK, D), lambda i: (i, 0)),
            pl.BlockSpec((_BLK, D), lambda i: (i, 0)),
        ],
        out_shape=[
            jax.ShapeDtypeStruct((N_NODES, D), jnp.float32),
            jax.ShapeDtypeStruct((N_NODES, D), jnp.float32),
        ],
    )(p, base, w_rel, w_root, b_rel.reshape(1, D))


def _final_body(p_ref, base_ref, out_ref):
    out_ref[...] = p_ref[0] + p_ref[1] + base_ref[...]


def _dense_final(p, base):
    return pl.pallas_call(
        _final_body,
        grid=(N_NODES // _BLK,),
        in_specs=[
            pl.BlockSpec((NC, _BLK, D), lambda i: (0, i, 0)),
            pl.BlockSpec((_BLK, D), lambda i: (i, 0)),
        ],
        out_specs=pl.BlockSpec((_BLK, D), lambda i: (i, 0)),
        out_shape=jax.ShapeDtypeStruct((N_NODES, D), jnp.float32),
    )(p, base)


def _split_pad(a, fill):
    n0 = NS * EDGES_C[0]
    n1 = NS * EDGES_C[1]
    a = jnp.pad(a, (0, n0 + n1 - N_EDGES), constant_values=fill)
    parts = []
    for c, (n, epc) in enumerate(((n0, EDGES_C[0]), (n1, EDGES_C[1]))):
        s = a[n0 * c: n0 * c + n].reshape(NS, epc)
        s = jnp.pad(s, ((0, 0), (0, NCHMAX * CHUNK - epc)),
                    constant_values=fill)
        parts.append(s)
    return jnp.stack(parts, axis=0)


def kernel(x, edge_index, edge_weights, W1_rel, b1_rel, W1_root,
           W2_rel, b2_rel, W2_root):
    ei = edge_index.astype(jnp.int32)
    src_p = _split_pad(ei[0], 0).reshape(NC, NS, NCHMAX, CHUNK)
    dst_p = _split_pad(ei[1], 0).reshape(NC, NS, NCHMAX, CHUNK)
    w_bf = _split_pad(edge_weights.astype(jnp.float32), 0.0).astype(
        jnp.bfloat16)
    w_pk = lax.bitcast_convert_type(
        w_bf.reshape(NC, NS, NCHMAX * CHUNK // 2, 2), jnp.int32)
    zeros = jnp.zeros((N_NODES, D), jnp.float32)

    hr1, base1 = _dense_pre(x, W1_rel, W1_root, b1_rel)
    part1 = _sc_scatter(hr1, src_p, dst_p, w_pk, zeros)
    hr2, base2 = _dense_mid(part1, base1, W2_rel, W2_root, b2_rel)
    part2 = _sc_scatter(hr2, src_p, dst_p, w_pk, zeros)
    return _dense_final(part2, base2)

# --- scband reference (transcript-rebuilt; emitter-appended) ---
"""Pipeline reference for scband-graph-conv-net-5566277616453 (READ-ONLY COPY).

The authoritative reference and input builder live on the scoring server;
editing this copy changes nothing except your own understanding.
"""

import jax, jax.numpy as jnp
import numpy as np

N_NODES = 10000
N_EDGES = 320000
D_IN = 128
D_HID = 128


def setup_inputs(seed: int = 0) -> dict:
    key = jax.random.key(seed)
    ks = jax.random.split(key, 10)
    x = jax.random.normal(ks[0], (N_NODES, D_IN), dtype=jnp.float32)
    edge_index = jax.random.randint(ks[1], (2, N_EDGES), 0, N_NODES, dtype=jnp.int64)
    edge_weights = jax.random.uniform(ks[2], (N_EDGES,), dtype=jnp.float32)
    # Layer 1 params (GraphConv: lin_rel with bias, lin_root without bias)
    s1 = 1.0 / np.sqrt(D_IN)
    W1_rel = jax.random.uniform(ks[3], (D_IN, D_HID), minval=-s1, maxval=s1, dtype=jnp.float32)
    b1_rel = jax.random.uniform(ks[4], (D_HID,), minval=-s1, maxval=s1, dtype=jnp.float32)
    W1_root = jax.random.uniform(ks[5], (D_IN, D_HID), minval=-s1, maxval=s1, dtype=jnp.float32)
    # Layer 2 params
    s2 = 1.0 / np.sqrt(D_HID)
    W2_rel = jax.random.uniform(ks[6], (D_HID, D_HID), minval=-s2, maxval=s2, dtype=jnp.float32)
    b2_rel = jax.random.uniform(ks[7], (D_HID,), minval=-s2, maxval=s2, dtype=jnp.float32)
    W2_root = jax.random.uniform(ks[8], (D_HID, D_HID), minval=-s2, maxval=s2, dtype=jnp.float32)
    return {"x": x, "edge_index": edge_index, "edge_weights": edge_weights,
            "W1_rel": W1_rel, "b1_rel": b1_rel, "W1_root": W1_root,
            "W2_rel": W2_rel, "b2_rel": b2_rel, "W2_root": W2_root}


def _graph_conv(h, edge_index, edge_weights, W_rel, b_rel, W_root):
    # PyG GraphConv: out_i = lin_rel( sum_{j in N(i)} e_ji * h_j ) + lin_root(h_i)
    src = edge_index[0]
    dst = edge_index[1]
    msg = h[src] * edge_weights[:, None]              # gather + scale (SparseCore gather)
    agg = jnp.zeros_like(h).at[dst].add(msg)          # scatter-add (SparseCore scatter)
    return agg @ W_rel + b_rel + h @ W_root


def reference(x, edge_index, edge_weights, W1_rel, b1_rel, W1_root, W2_rel, b2_rel, W2_root):
    h = _graph_conv(x, edge_index, edge_weights, W1_rel, b1_rel, W1_root)
    h = jax.nn.elu(h)
    h = _graph_conv(h, edge_index, edge_weights, W2_rel, b2_rel, W2_root)
    return h

if __name__ == "__main__":
    import jax
    _d = setup_inputs()
    print(jax.jit(kernel)(*tuple(_d.values())))

</pallas_src>

<mosaic_0001>
#map = affine_map<(d0, d1) -> (0, 0)>
#map1 = affine_map<(d0, d1) -> (0, 0, 0, 0)>
#map2 = affine_map<(d0, d1) -> (0, 0, 0)>
module attributes {stable_mosaic.version = 14 : i64} {
  func.func @_sc_scatter_body(%arg0: i32, %arg1: i32, %arg2: memref<10000x128xf32, #tpu.memory_space<hbm>>, %arg3: memref<2x16x79x128xi32, #tpu.memory_space<hbm>>, %arg4: memref<2x16x79x128xi32, #tpu.memory_space<hbm>>, %arg5: memref<2x16x5056xi32, #tpu.memory_space<hbm>>, %arg6: memref<10000x128xf32, #tpu.memory_space<hbm>>, %arg7: memref<2x10000x128xf32, #tpu.memory_space<hbm>>, %arg8: memref<79x128xi32, #tpu.memory_space<vmem>>, %arg9: memref<79x128xi32, #tpu.memory_space<vmem>>, %arg10: memref<5056xi32, #tpu.memory_space<vmem>>, %arg11: memref<128x128xf32, #tpu.memory_space<vmem>>, %arg12: memref<10000x128xf32, #tpu.memory_space<vmem_shared>>, %arg13: memref<!tpu.dma_semaphore, #tpu.memory_space<semaphore_mem>>) attributes {dimension_semantics = [#tpu.dimension_semantics<core_parallel>, #tpu.dimension_semantics<subcore_parallel>], iteration_bounds = array<i64: 2, 16>, scalar_prefetch = 0 : i64, scratch_operands = 6 : i64, tpu.core_type = #tpu.core_type<sc_vector_subcore>, window_params = [{transform_indices = #map}, {transform_indices = #map1}, {transform_indices = #map1}, {transform_indices = #map2}, {transform_indices = #map}, {transform_indices = #map2}]} {
    %mul3A = arith.constant 624 : i32
    %mul3A_0 = arith.muli %arg1, %mul3A : i32
    %mul3A_1 = arith.constant 624 : i32
    %mul3A_2 = arith.muli %arg1, %mul3A_1 : i32
    "tpu.region"() ({
      %run_scoped3A = tpu.sem_alloc : memref<!tpu.dma_semaphore, #tpu.memory_space<semaphore_mem>>
      %dma_start3A = arith.constant 0 : i32
      %dma_start3A_33 = tpu.memref_slice %arg12[%mul3A_2, %dma_start3A] : memref<10000x128xf32, #tpu.memory_space<vmem_shared>> -> memref<624x128xf32, #tpu.memory_space<vmem_shared>>
      %dma_start3A_34 = arith.constant 0 : i32
      %dma_start3A_35 = tpu.memref_slice %arg6[%mul3A_0, %dma_start3A_34] : memref<10000x128xf32, #tpu.memory_space<hbm>> -> memref<624x128xf32, #tpu.memory_space<hbm>>
      tpu.enqueue_dma source(%dma_start3A_35 : memref<624x128xf32, #tpu.memory_space<hbm>>) target(%dma_start3A_33 : memref<624x128xf32, #tpu.memory_space<vmem_shared>>) target_semaphore(%run_scoped3A : memref<!tpu.dma_semaphore, #tpu.memory_space<semaphore_mem>>)
      %dma_wait3A = arith.constant 0 : i32
      %dma_wait3A_36 = tpu.memref_slice %arg12[%mul3A_2, %dma_wait3A] : memref<10000x128xf32, #tpu.memory_space<vmem_shared>> -> memref<624x128xf32, #tpu.memory_space<vmem_shared>>
      %dma_wait3A_37 = arith.constant 0 : i32
      %dma_wait3A_38 = tpu.memref_slice %arg6[%mul3A_0, %dma_wait3A_37] : memref<10000x128xf32, #tpu.memory_space<hbm>> -> memref<624x128xf32, #tpu.memory_space<hbm>>
      tpu.wait_dma2 semaphore(%run_scoped3A : memref<!tpu.dma_semaphore, #tpu.memory_space<semaphore_mem>>) src(%dma_wait3A_38 : memref<624x128xf32, #tpu.memory_space<hbm>>) dst(%dma_wait3A_36 : memref<624x128xf32, #tpu.memory_space<vmem_shared>>)
      tpu.yield
    }) : () -> ()
    %eq3A = arith.constant 15 : i32
    %eq3A_3 = arith.cmpi eq, %arg1, %eq3A : i32
    %convert_element_type3A = arith.extui %eq3A_3 : i1 to i32
    %cond3A = arith.constant 0 : i32
    %cond3A_4 = arith.cmpi ne, %convert_element_type3A, %cond3A : i32
    scf.if %cond3A_4 {
      "tpu.region"() ({
        %run_scoped3A = tpu.sem_alloc : memref<!tpu.dma_semaphore, #tpu.memory_space<semaphore_mem>>
        %dma_start3A = arith.constant 9984 : i32
        %dma_start3A_33 = arith.constant 0 : i32
        %dma_start3A_34 = tpu.memref_slice %arg12[%dma_start3A, %dma_start3A_33] : memref<10000x128xf32, #tpu.memory_space<vmem_shared>> -> memref<16x128xf32, #tpu.memory_space<vmem_shared>>
        %dma_start3A_35 = arith.constant 9984 : i32
        %dma_start3A_36 = arith.constant 0 : i32
        %dma_start3A_37 = tpu.memref_slice %arg6[%dma_start3A_35, %dma_start3A_36] : memref<10000x128xf32, #tpu.memory_space<hbm>> -> memref<16x128xf32, #tpu.memory_space<hbm>>
        tpu.enqueue_dma source(%dma_start3A_37 : memref<16x128xf32, #tpu.memory_space<hbm>>) target(%dma_start3A_34 : memref<16x128xf32, #tpu.memory_space<vmem_shared>>) target_semaphore(%run_scoped3A : memref<!tpu.dma_semaphore, #tpu.memory_space<semaphore_mem>>)
        %dma_wait3A = arith.constant 9984 : i32
        %dma_wait3A_38 = arith.constant 0 : i32
        %dma_wait3A_39 = tpu.memref_slice %arg12[%dma_wait3A, %dma_wait3A_38] : memref<10000x128xf32, #tpu.memory_space<vmem_shared>> -> memref<16x128xf32, #tpu.memory_space<vmem_shared>>
        %dma_wait3A_40 = arith.constant 9984 : i32
        %dma_wait3A_41 = arith.constant 0 : i32
        %dma_wait3A_42 = tpu.memref_slice %arg6[%dma_wait3A_40, %dma_wait3A_41] : memref<10000x128xf32, #tpu.memory_space<hbm>> -> memref<16x128xf32, #tpu.memory_space<hbm>>
        tpu.wait_dma2 semaphore(%run_scoped3A : memref<!tpu.dma_semaphore, #tpu.memory_space<semaphore_mem>>) src(%dma_wait3A_42 : memref<16x128xf32, #tpu.memory_space<hbm>>) dst(%dma_wait3A_39 : memref<16x128xf32, #tpu.memory_space<vmem_shared>>)
        tpu.yield
      }) : () -> ()
    } else {
    }
    %barrier3A = arith.constant 0 : index
    tpu.barrier barrier_id(%barrier3A)
    "tpu.region"() ({
      %run_scoped3A = tpu.sem_alloc : memref<!tpu.dma_semaphore, #tpu.memory_space<semaphore_mem>>
      %dma_start3A = arith.constant 0 : i32
      %dma_start3A_33 = arith.constant 0 : i32
      %dma_start3A_34 = tpu.memref_slice %arg3[%arg0, %arg1, %dma_start3A, %dma_start3A_33] : memref<2x16x79x128xi32, #tpu.memory_space<hbm>> -> memref<1x1x79x128xi32, #tpu.memory_space<hbm>>
      %dma_start3A_35 = tpu.memref_squeeze %dma_start3A_34 : memref<1x1x79x128xi32, #tpu.memory_space<hbm>> -> memref<79x128xi32, #tpu.memory_space<hbm>>
      %dma_start3A_36 = arith.constant 0 : i32
      %dma_start3A_37 = arith.constant 0 : i32
      %dma_start3A_38 = tpu.memref_slice %arg3[%arg0, %arg1, %dma_start3A_36, %dma_start3A_37] : memref<2x16x79x128xi32, #tpu.memory_space<hbm>> -> memref<1x1x79x128xi32, #tpu.memory_space<hbm>>
      %dma_start3A_39 = tpu.memref_squeeze %dma_start3A_38 : memref<1x1x79x128xi32, #tpu.memory_space<hbm>> -> memref<79x128xi32, #tpu.memory_space<hbm>>
      tpu.enqueue_dma source(%dma_start3A_39 : memref<79x128xi32, #tpu.memory_space<hbm>>) target(%arg8 : memref<79x128xi32, #tpu.memory_space<vmem>>) target_semaphore(%run_scoped3A : memref<!tpu.dma_semaphore, #tpu.memory_space<semaphore_mem>>)
      %dma_wait3A = arith.constant 0 : i32
      %dma_wait3A_40 = arith.constant 0 : i32
      %dma_wait3A_41 = tpu.memref_slice %arg3[%arg0, %arg1, %dma_wait3A, %dma_wait3A_40] : memref<2x16x79x128xi32, #tpu.memory_space<hbm>> -> memref<1x1x79x128xi32, #tpu.memory_space<hbm>>
      %dma_wait3A_42 = tpu.memref_squeeze %dma_wait3A_41 : memref<1x1x79x128xi32, #tpu.memory_space<hbm>> -> memref<79x128xi32, #tpu.memory_space<hbm>>
      %dma_wait3A_43 = arith.constant 0 : i32
      %dma_wait3A_44 = arith.constant 0 : i32
      %dma_wait3A_45 = tpu.memref_slice %arg3[%arg0, %arg1, %dma_wait3A_43, %dma_wait3A_44] : memref<2x16x79x128xi32, #tpu.memory_space<hbm>> -> memref<1x1x79x128xi32, #tpu.memory_space<hbm>>
      %dma_wait3A_46 = tpu.memref_squeeze %dma_wait3A_45 : memref<1x1x79x128xi32, #tpu.memory_space<hbm>> -> memref<79x128xi32, #tpu.memory_space<hbm>>
      tpu.wait_dma2 semaphore(%run_scoped3A : memref<!tpu.dma_semaphore, #tpu.memory_space<semaphore_mem>>) src(%dma_wait3A_46 : memref<79x128xi32, #tpu.memory_space<hbm>>) dst(%arg8 : memref<79x128xi32, #tpu.memory_space<vmem>>)
      tpu.yield
    }) : () -> ()
    "tpu.region"() ({
      %run_scoped3A = tpu.sem_alloc : memref<!tpu.dma_semaphore, #tpu.memory_space<semaphore_mem>>
      %dma_start3A = arith.constant 0 : i32
      %dma_start3A_33 = arith.constant 0 : i32
      %dma_start3A_34 = tpu.memref_slice %arg4[%arg0, %arg1, %dma_start3A, %dma_start3A_33] : memref<2x16x79x128xi32, #tpu.memory_space<hbm>> -> memref<1x1x79x128xi32, #tpu.memory_space<hbm>>
      %dma_start3A_35 = tpu.memref_squeeze %dma_start3A_34 : memref<1x1x79x128xi32, #tpu.memory_space<hbm>> -> memref<79x128xi32, #tpu.memory_space<hbm>>
      %dma_start3A_36 = arith.constant 0 : i32
      %dma_start3A_37 = arith.constant 0 : i32
      %dma_start3A_38 = tpu.memref_slice %arg4[%arg0, %arg1, %dma_start3A_36, %dma_start3A_37] : memref<2x16x79x128xi32, #tpu.memory_space<hbm>> -> memref<1x1x79x128xi32, #tpu.memory_space<hbm>>
      %dma_start3A_39 = tpu.memref_squeeze %dma_start3A_38 : memref<1x1x79x128xi32, #tpu.memory_space<hbm>> -> memref<79x128xi32, #tpu.memory_space<hbm>>
      tpu.enqueue_dma source(%dma_start3A_39 : memref<79x128xi32, #tpu.memory_space<hbm>>) target(%arg9 : memref<79x128xi32, #tpu.memory_space<vmem>>) target_semaphore(%run_scoped3A : memref<!tpu.dma_semaphore, #tpu.memory_space<semaphore_mem>>)
      %dma_wait3A = arith.constant 0 : i32
      %dma_wait3A_40 = arith.constant 0 : i32
      %dma_wait3A_41 = tpu.memref_slice %arg4[%arg0, %arg1, %dma_wait3A, %dma_wait3A_40] : memref<2x16x79x128xi32, #tpu.memory_space<hbm>> -> memref<1x1x79x128xi32, #tpu.memory_space<hbm>>
      %dma_wait3A_42 = tpu.memref_squeeze %dma_wait3A_41 : memref<1x1x79x128xi32, #tpu.memory_space<hbm>> -> memref<79x128xi32, #tpu.memory_space<hbm>>
      %dma_wait3A_43 = arith.constant 0 : i32
      %dma_wait3A_44 = arith.constant 0 : i32
      %dma_wait3A_45 = tpu.memref_slice %arg4[%arg0, %arg1, %dma_wait3A_43, %dma_wait3A_44] : memref<2x16x79x128xi32, #tpu.memory_space<hbm>> -> memref<1x1x79x128xi32, #tpu.memory_space<hbm>>
      %dma_wait3A_46 = tpu.memref_squeeze %dma_wait3A_45 : memref<1x1x79x128xi32, #tpu.memory_space<hbm>> -> memref<79x128xi32, #tpu.memory_space<hbm>>
      tpu.wait_dma2 semaphore(%run_scoped3A : memref<!tpu.dma_semaphore, #tpu.memory_space<semaphore_mem>>) src(%dma_wait3A_46 : memref<79x128xi32, #tpu.memory_space<hbm>>) dst(%arg9 : memref<79x128xi32, #tpu.memory_space<vmem>>)
      tpu.yield
    }) : () -> ()
    "tpu.region"() ({
      %run_scoped3A = tpu.sem_alloc : memref<!tpu.dma_semaphore, #tpu.memory_space<semaphore_mem>>
      %dma_start3A = arith.constant 0 : i32
      %dma_start3A_33 = tpu.memref_slice %arg5[%arg0, %arg1, %dma_start3A] : memref<2x16x5056xi32, #tpu.memory_space<hbm>> -> memref<1x1x5056xi32, #tpu.memory_space<hbm>>
      %dma_start3A_34 = tpu.memref_squeeze %dma_start3A_33 : memref<1x1x5056xi32, #tpu.memory_space<hbm>> -> memref<5056xi32, #tpu.memory_space<hbm>>
      %dma_start3A_35 = arith.constant 0 : i32
      %dma_start3A_36 = tpu.memref_slice %arg5[%arg0, %arg1, %dma_start3A_35] : memref<2x16x5056xi32, #tpu.memory_space<hbm>> -> memref<1x1x5056xi32, #tpu.memory_space<hbm>>
      %dma_start3A_37 = tpu.memref_squeeze %dma_start3A_36 : memref<1x1x5056xi32, #tpu.memory_space<hbm>> -> memref<5056xi32, #tpu.memory_space<hbm>>
      tpu.enqueue_dma source(%dma_start3A_37 : memref<5056xi32, #tpu.memory_space<hbm>>) target(%arg10 : memref<5056xi32, #tpu.memory_space<vmem>>) target_semaphore(%run_scoped3A : memref<!tpu.dma_semaphore, #tpu.memory_space<semaphore_mem>>)
      %dma_wait3A = arith.constant 0 : i32
      %dma_wait3A_38 = tpu.memref_slice %arg5[%arg0, %arg1, %dma_wait3A] : memref<2x16x5056xi32, #tpu.memory_space<hbm>> -> memref<1x1x5056xi32, #tpu.memory_space<hbm>>
      %dma_wait3A_39 = tpu.memref_squeeze %dma_wait3A_38 : memref<1x1x5056xi32, #tpu.memory_space<hbm>> -> memref<5056xi32, #tpu.memory_space<hbm>>
      %dma_wait3A_40 = arith.constant 0 : i32
      %dma_wait3A_41 = tpu.memref_slice %arg5[%arg0, %arg1, %dma_wait3A_40] : memref<2x16x5056xi32, #tpu.memory_space<hbm>> -> memref<1x1x5056xi32, #tpu.memory_space<hbm>>
      %dma_wait3A_42 = tpu.memref_squeeze %dma_wait3A_41 : memref<1x1x5056xi32, #tpu.memory_space<hbm>> -> memref<5056xi32, #tpu.memory_space<hbm>>
      tpu.wait_dma2 semaphore(%run_scoped3A : memref<!tpu.dma_semaphore, #tpu.memory_space<semaphore_mem>>) src(%dma_wait3A_42 : memref<5056xi32, #tpu.memory_space<hbm>>) dst(%arg10 : memref<5056xi32, #tpu.memory_space<vmem>>)
      tpu.yield
    }) : () -> ()
    %eq3A_5 = arith.constant 0 : i32
    %eq3A_6 = arith.cmpi eq, %arg0, %eq3A_5 : i32
    %jit3A = arith.constant 79 : i32
    %jit3A_7 = arith.constant 79 : i32
    %select_n3A = arith.select %eq3A_6, %jit3A, %jit3A_7 : i32
    %sub3A = arith.constant 0 : i32
    %sub3A_8 = arith.subi %select_n3A, %sub3A : i32
    %sub3A_9 = arith.constant 1 : i32
    %sub3A_10 = arith.constant 1 : i32
    %sub3A_11 = arith.subi %sub3A_9, %sub3A_10 : i32
    %add3A = arith.addi %sub3A_8, %sub3A_11 : i32
    %div3A = arith.constant 1 : i32
    %div3A_12 = arith.divsi %add3A, %div3A : i32
    %while3A = arith.constant 1 : i32
    %while3A_13 = arith.constant 0 : i32
    %while3A_14 = arith.constant 0 : i32
    %while3A_15 = arith.subi %div3A_12, %while3A_14 : i32
    %while3A_16 = arith.addi %while3A_14, %while3A_15 : i32
    %while3A_17 = arith.constant 1 : i32
    %while3A_18 = arith.divsi %while3A_15, %while3A_17 : i32
    %while3A_19 = arith.muli %while3A_18, %while3A_17 : i32
    %while3A_20 = arith.addi %while3A_14, %while3A_19 : i32
    %while3A_21 = arith.constant 1 : i32
    scf.for %while3A_33 = %while3A_14 to %while3A_20 step %while3A_21  : i32 {
      %mul3A_34 = arith.muli %while3A_33, %while3A : i32
      %add3A_35 = arith.addi %while3A_13, %mul3A_34 : i32
      %dma_start3A = arith.constant 0 : i32
      %dma_start3A_36 = tpu.memref_slice %arg8[%add3A_35, %dma_start3A] : memref<79x128xi32, #tpu.memory_space<vmem>> -> memref<1x128xi32, #tpu.memory_space<vmem>>
      %dma_start3A_37 = tpu.memref_squeeze %dma_start3A_36 : memref<1x128xi32, #tpu.memory_space<vmem>> -> memref<128xi32, #tpu.memory_space<vmem>>
      %dma_start3A_38 = arith.constant 0 : i32
      %dma_start3A_39 = arith.constant 0 : i32
      %dma_start3A_40 = tpu.memref_slice %arg2[%dma_start3A_38, %dma_start3A_39] : memref<10000x128xf32, #tpu.memory_space<hbm>> -> memref<10000x128xf32, #tpu.memory_space<hbm>>
      tpu.enqueue_indirect_dma source(%dma_start3A_40 : memref<10000x128xf32, #tpu.memory_space<hbm>>) target(%arg11 : memref<128x128xf32, #tpu.memory_space<vmem>>) offsets(%dma_start3A_37 : memref<128xi32, #tpu.memory_space<vmem>>) semaphore(%arg13 : memref<!tpu.dma_semaphore, #tpu.memory_space<semaphore_mem>>)
      %dma_wait3A = arith.constant 0 : i32
      %dma_wait3A_41 = tpu.memref_slice %arg8[%add3A_35, %dma_wait3A] : memref<79x128xi32, #tpu.memory_space<vmem>> -> memref<1x128xi32, #tpu.memory_space<vmem>>
      %dma_wait3A_42 = tpu.memref_squeeze %dma_wait3A_41 : memref<1x128xi32, #tpu.memory_space<vmem>> -> memref<128xi32, #tpu.memory_space<vmem>>
      %dma_wait3A_43 = arith.constant 0 : i32
      %dma_wait3A_44 = arith.constant 0 : i32
      %dma_wait3A_45 = tpu.memref_slice %arg2[%dma_wait3A_43, %dma_wait3A_44] : memref<10000x128xf32, #tpu.memory_space<hbm>> -> memref<10000x128xf32, #tpu.memory_space<hbm>>
      tpu.wait_indirect_dma semaphore(%arg13 : memref<!tpu.dma_semaphore, #tpu.memory_space<semaphore_mem>>) src(%dma_wait3A_45 : memref<10000x128xf32, #tpu.memory_space<hbm>>) dst(%arg11 : memref<128x128xf32, #tpu.memory_space<vmem>>)
      %mul3A_46 = arith.constant 64 : i32
      %mul3A_47 = arith.muli %add3A_35, %mul3A_46 : i32
      %scan3A = arith.constant 0 : i32
      %scan3A_48 = arith.constant 128 : i32
      %scan3A_49 = arith.addi %scan3A, %scan3A_48 : i32
      %scan3A_50 = arith.constant 1 : i32
      scf.for %scan3A_52 = %scan3A to %scan3A_49 step %scan3A_50  : i32 {
        %mul3A_53 = arith.constant 1 : i32
        %mul3A_54 = arith.muli %scan3A_52, %mul3A_53 : i32
        %add3A_55 = arith.constant 0 : i32
        %add3A_56 = arith.addi %add3A_55, %mul3A_54 : i32
        %broadcast_in_dim3A = vector.broadcast %mul3A_47 : i32 to vector<16xi32>
        %shift_right_arithmetic3A = arith.constant 1 : i32
        %shift_right_arithmetic3A_57 = arith.shrsi %add3A_56, %shift_right_arithmetic3A : i32
        %add3A_58 = vector.broadcast %shift_right_arithmetic3A_57 : i32 to vector<16xi32>
        %add3A_59 = arith.addi %broadcast_in_dim3A, %add3A_58 : vector<16xi32>
        %gather3A = tpu.vector_load_idx %arg10[%add3A_59] : memref<5056xi32, #tpu.memory_space<vmem>>[vector<16xi32>], vector<16xi32>,
        %shift_left3A = arith.constant 16 : i32
        %shift_left3A_60 = vector.broadcast %shift_left3A : i32 to vector<16xi32>
        %shift_left3A_61 = arith.shli %gather3A, %shift_left3A_60 : vector<16xi32>
        %bitcast3A = vector.bitcast %shift_left3A_61 : vector<16xi32> to vector<16xf32>
        %and3A = arith.constant -65536 : i32
        %and3A_62 = vector.broadcast %and3A : i32 to vector<16xi32>
        %and3A_63 = arith.andi %gather3A, %and3A_62 : vector<16xi32>
        %bitcast3A_64 = vector.bitcast %and3A_63 : vector<16xi32> to vector<16xf32>
        %and3A_65 = arith.constant 1 : i32
        %and3A_66 = arith.andi %add3A_56, %and3A_65 : i32
        %eq3A_67 = arith.constant 1 : i32
        %eq3A_68 = arith.cmpi eq, %and3A_66, %eq3A_67 : i32
        %select_n3A_69 = arith.select %eq3A_68, %bitcast3A_64, %bitcast3A : vector<16xf32>
        %get3A = arith.index_cast %add3A_56 : i32 to index
        %get3A_70 = arith.constant 0 : index
        %get3A_71 = tpu.vector_load %arg11[%get3A, %get3A_70] {strides = array<i32>} : memref<128x128xf32, #tpu.memory_space<vmem>>, vector<16xf32>,
        %mul3A_72 = arith.mulf %get3A_71, %select_n3A_69 : vector<16xf32>
        %swap3A = arith.index_cast %add3A_56 : i32 to index
        %swap3A_73 = arith.constant 0 : index
        %swap3A_74 = tpu.vector_load %arg11[%swap3A, %swap3A_73] {strides = array<i32>} : memref<128x128xf32, #tpu.memory_space<vmem>>, vector<16xf32>,
        tpu.vector_store %arg11[%swap3A, %swap3A_73], %mul3A_72 {strides = array<i32>} : memref<128x128xf32, #tpu.memory_space<vmem>>, vector<16xf32>,
        %get3A_75 = arith.index_cast %add3A_56 : i32 to index
        %get3A_76 = arith.constant 16 : index
        %get3A_77 = tpu.vector_load %arg11[%get3A_75, %get3A_76] {strides = array<i32>} : memref<128x128xf32, #tpu.memory_space<vmem>>, vector<16xf32>,
        %mul3A_78 = arith.mulf %get3A_77, %select_n3A_69 : vector<16xf32>
        %swap3A_79 = arith.index_cast %add3A_56 : i32 to index
        %swap3A_80 = arith.constant 16 : index
        %swap3A_81 = tpu.vector_load %arg11[%swap3A_79, %swap3A_80] {strides = array<i32>} : memref<128x128xf32, #tpu.memory_space<vmem>>, vector<16xf32>,
        tpu.vector_store %arg11[%swap3A_79, %swap3A_80], %mul3A_78 {strides = array<i32>} : memref<128x128xf32, #tpu.memory_space<vmem>>, vector<16xf32>,
        %get3A_82 = arith.index_cast %add3A_56 : i32 to index
        %get3A_83 = arith.constant 32 : index
        %get3A_84 = tpu.vector_load %arg11[%get3A_82, %get3A_83] {strides = array<i32>} : memref<128x128xf32, #tpu.memory_space<vmem>>, vector<16xf32>,
        %mul3A_85 = arith.mulf %get3A_84, %select_n3A_69 : vector<16xf32>
        %swap3A_86 = arith.index_cast %add3A_56 : i32 to index
        %swap3A_87 = arith.constant 32 : index
        %swap3A_88 = tpu.vector_load %arg11[%swap3A_86, %swap3A_87] {strides = array<i32>} : memref<128x128xf32, #tpu.memory_space<vmem>>, vector<16xf32>,
        tpu.vector_store %arg11[%swap3A_86, %swap3A_87], %mul3A_85 {strides = array<i32>} : memref<128x128xf32, #tpu.memory_space<vmem>>, vector<16xf32>,
        %get3A_89 = arith.index_cast %add3A_56 : i32 to index
        %get3A_90 = arith.constant 48 : index
        %get3A_91 = tpu.vector_load %arg11[%get3A_89, %get3A_90] {strides = array<i32>} : memref<128x128xf32, #tpu.memory_space<vmem>>, vector<16xf32>,
        %mul3A_92 = arith.mulf %get3A_91, %select_n3A_69 : vector<16xf32>
        %swap3A_93 = arith.index_cast %add3A_56 : i32 to index
        %swap3A_94 = arith.constant 48 : index
        %swap3A_95 = tpu.vector_load %arg11[%swap3A_93, %swap3A_94] {strides = array<i32>} : memref<128x128xf32, #tpu.memory_space<vmem>>, vector<16xf32>,
        tpu.vector_store %arg11[%swap3A_93, %swap3A_94], %mul3A_92 {strides = array<i32>} : memref<128x128xf32, #tpu.memory_space<vmem>>, vector<16xf32>,
        %get3A_96 = arith.index_cast %add3A_56 : i32 to index
        %get3A_97 = arith.constant 64 : index
        %get3A_98 = tpu.vector_load %arg11[%get3A_96, %get3A_97] {strides = array<i32>} : memref<128x128xf32, #tpu.memory_space<vmem>>, vector<16xf32>,
        %mul3A_99 = arith.mulf %get3A_98, %select_n3A_69 : vector<16xf32>
        %swap3A_100 = arith.index_cast %add3A_56 : i32 to index
        %swap3A_101 = arith.constant 64 : index
        %swap3A_102 = tpu.vector_load %arg11[%swap3A_100, %swap3A_101] {strides = array<i32>} : memref<128x128xf32, #tpu.memory_space<vmem>>, vector<16xf32>,
        tpu.vector_store %arg11[%swap3A_100, %swap3A_101], %mul3A_99 {strides = array<i32>} : memref<128x128xf32, #tpu.memory_space<vmem>>, vector<16xf32>,
        %get3A_103 = arith.index_cast %add3A_56 : i32 to index
        %get3A_104 = arith.constant 80 : index
        %get3A_105 = tpu.vector_load %arg11[%get3A_103, %get3A_104] {strides = array<i32>} : memref<128x128xf32, #tpu.memory_space<vmem>>, vector<16xf32>,
        %mul3A_106 = arith.mulf %get3A_105, %select_n3A_69 : vector<16xf32>
        %swap3A_107 = arith.index_cast %add3A_56 : i32 to index
        %swap3A_108 = arith.constant 80 : index
        %swap3A_109 = tpu.vector_load %arg11[%swap3A_107, %swap3A_108] {strides = array<i32>} : memref<128x128xf32, #tpu.memory_space<vmem>>, vector<16xf32>,
        tpu.vector_store %arg11[%swap3A_107, %swap3A_108], %mul3A_106 {strides = array<i32>} : memref<128x128xf32, #tpu.memory_space<vmem>>, vector<16xf32>,
        %get3A_110 = arith.index_cast %add3A_56 : i32 to index
        %get3A_111 = arith.constant 96 : index
        %get3A_112 = tpu.vector_load %arg11[%get3A_110, %get3A_111] {strides = array<i32>} : memref<128x128xf32, #tpu.memory_space<vmem>>, vector<16xf32>,
        %mul3A_113 = arith.mulf %get3A_112, %select_n3A_69 : vector<16xf32>
        %swap3A_114 = arith.index_cast %add3A_56 : i32 to index
        %swap3A_115 = arith.constant 96 : index
        %swap3A_116 = tpu.vector_load %arg11[%swap3A_114, %swap3A_115] {strides = array<i32>} : memref<128x128xf32, #tpu.memory_space<vmem>>, vector<16xf32>,
        tpu.vector_store %arg11[%swap3A_114, %swap3A_115], %mul3A_113 {strides = array<i32>} : memref<128x128xf32, #tpu.memory_space<vmem>>, vector<16xf32>,
        %get3A_117 = arith.index_cast %add3A_56 : i32 to index
        %get3A_118 = arith.constant 112 : index
        %get3A_119 = tpu.vector_load %arg11[%get3A_117, %get3A_118] {strides = array<i32>} : memref<128x128xf32, #tpu.memory_space<vmem>>, vector<16xf32>,
        %mul3A_120 = arith.mulf %get3A_119, %select_n3A_69 : vector<16xf32>
        %swap3A_121 = arith.index_cast %add3A_56 : i32 to index
        %swap3A_122 = arith.constant 112 : index
        %swap3A_123 = tpu.vector_load %arg11[%swap3A_121, %swap3A_122] {strides = array<i32>} : memref<128x128xf32, #tpu.memory_space<vmem>>, vector<16xf32>,
        tpu.vector_store %arg11[%swap3A_121, %swap3A_122], %mul3A_120 {strides = array<i32>} : memref<128x128xf32, #tpu.memory_space<vmem>>, vector<16xf32>,
      }
      %scan3A_51 = arith.constant 128 : i32
      "tpu.region"() ({
        %run_scoped3A = tpu.sem_alloc : memref<!tpu.dma_semaphore, #tpu.memory_space<semaphore_mem>>
        %dma_start3A_52 = arith.constant 0 : i32
        %dma_start3A_53 = tpu.memref_slice %arg9[%add3A_35, %dma_start3A_52] : memref<79x128xi32, #tpu.memory_space<vmem>> -> memref<1x128xi32, #tpu.memory_space<vmem>>
        %dma_start3A_54 = tpu.memref_squeeze %dma_start3A_53 : memref<1x128xi32, #tpu.memory_space<vmem>> -> memref<128xi32, #tpu.memory_space<vmem>>
        %dma_start3A_55 = arith.constant 0 : i32
        %dma_start3A_56 = arith.constant 0 : i32
        %dma_start3A_57 = tpu.memref_slice %arg12[%dma_start3A_55, %dma_start3A_56] : memref<10000x128xf32, #tpu.memory_space<vmem_shared>> -> memref<10000x128xf32, #tpu.memory_space<vmem_shared>>
        tpu.enqueue_indirect_dma source(%arg11 : memref<128x128xf32, #tpu.memory_space<vmem>>) target(%dma_start3A_57 : memref<10000x128xf32, #tpu.memory_space<vmem_shared>>) offsets(%dma_start3A_54 : memref<128xi32, #tpu.memory_space<vmem>>) semaphore(%run_scoped3A : memref<!tpu.dma_semaphore, #tpu.memory_space<semaphore_mem>>) {add = true}
        %dma_wait3A_58 = arith.constant 0 : i32
        %dma_wait3A_59 = tpu.memref_slice %arg9[%add3A_35, %dma_wait3A_58] : memref<79x128xi32, #tpu.memory_space<vmem>> -> memref<1x128xi32, #tpu.memory_space<vmem>>
        %dma_wait3A_60 = tpu.memref_squeeze %dma_wait3A_59 : memref<1x128xi32, #tpu.memory_space<vmem>> -> memref<128xi32, #tpu.memory_space<vmem>>
        %dma_wait3A_61 = arith.constant 0 : i32
        %dma_wait3A_62 = arith.constant 0 : i32
        %dma_wait3A_63 = tpu.memref_slice %arg12[%dma_wait3A_61, %dma_wait3A_62] : memref<10000x128xf32, #tpu.memory_space<vmem_shared>> -> memref<10000x128xf32, #tpu.memory_space<vmem_shared>>
        tpu.wait_indirect_dma semaphore(%run_scoped3A : memref<!tpu.dma_semaphore, #tpu.memory_space<semaphore_mem>>) src(%arg11 : memref<128x128xf32, #tpu.memory_space<vmem>>) dst(%dma_wait3A_63 : memref<10000x128xf32, #tpu.memory_space<vmem_shared>>)
        tpu.yield
      }) : () -> ()
    }
    %while3A_22 = arith.constant 1 : i32
    scf.for %while3A_33 = %while3A_20 to %while3A_16 step %while3A_22  : i32 {
      %mul3A_34 = arith.muli %while3A_33, %while3A : i32
      %add3A_35 = arith.addi %while3A_13, %mul3A_34 : i32
      %dma_start3A = arith.constant 0 : i32
      %dma_start3A_36 = tpu.memref_slice %arg8[%add3A_35, %dma_start3A] : memref<79x128xi32, #tpu.memory_space<vmem>> -> memref<1x128xi32, #tpu.memory_space<vmem>>
      %dma_start3A_37 = tpu.memref_squeeze %dma_start3A_36 : memref<1x128xi32, #tpu.memory_space<vmem>> -> memref<128xi32, #tpu.memory_space<vmem>>
      %dma_start3A_38 = arith.constant 0 : i32
      %dma_start3A_39 = arith.constant 0 : i32
      %dma_start3A_40 = tpu.memref_slice %arg2[%dma_start3A_38, %dma_start3A_39] : memref<10000x128xf32, #tpu.memory_space<hbm>> -> memref<10000x128xf32, #tpu.memory_space<hbm>>
      tpu.enqueue_indirect_dma source(%dma_start3A_40 : memref<10000x128xf32, #tpu.memory_space<hbm>>) target(%arg11 : memref<128x128xf32, #tpu.memory_space<vmem>>) offsets(%dma_start3A_37 : memref<128xi32, #tpu.memory_space<vmem>>) semaphore(%arg13 : memref<!tpu.dma_semaphore, #tpu.memory_space<semaphore_mem>>)
      %dma_wait3A = arith.constant 0 : i32
      %dma_wait3A_41 = tpu.memref_slice %arg8[%add3A_35, %dma_wait3A] : memref<79x128xi32, #tpu.memory_space<vmem>> -> memref<1x128xi32, #tpu.memory_space<vmem>>
      %dma_wait3A_42 = tpu.memref_squeeze %dma_wait3A_41 : memref<1x128xi32, #tpu.memory_space<vmem>> -> memref<128xi32, #tpu.memory_space<vmem>>
      %dma_wait3A_43 = arith.constant 0 : i32
      %dma_wait3A_44 = arith.constant 0 : i32
      %dma_wait3A_45 = tpu.memref_slice %arg2[%dma_wait3A_43, %dma_wait3A_44] : memref<10000x128xf32, #tpu.memory_space<hbm>> -> memref<10000x128xf32, #tpu.memory_space<hbm>>
      tpu.wait_indirect_dma semaphore(%arg13 : memref<!tpu.dma_semaphore, #tpu.memory_space<semaphore_mem>>) src(%dma_wait3A_45 : memref<10000x128xf32, #tpu.memory_space<hbm>>) dst(%arg11 : memref<128x128xf32, #tpu.memory_space<vmem>>)
      %mul3A_46 = arith.constant 64 : i32
      %mul3A_47 = arith.muli %add3A_35, %mul3A_46 : i32
      %scan3A = arith.constant 0 : i32
      %scan3A_48 = arith.constant 128 : i32
      %scan3A_49 = arith.addi %scan3A, %scan3A_48 : i32
      %scan3A_50 = arith.constant 1 : i32
      scf.for %scan3A_52 = %scan3A to %scan3A_49 step %scan3A_50  : i32 {
        %mul3A_53 = arith.constant 1 : i32
        %mul3A_54 = arith.muli %scan3A_52, %mul3A_53 : i32
        %add3A_55 = arith.constant 0 : i32
        %add3A_56 = arith.addi %add3A_55, %mul3A_54 : i32
        %broadcast_in_dim3A = vector.broadcast %mul3A_47 : i32 to vector<16xi32>
        %shift_right_arithmetic3A = arith.constant 1 : i32
        %shift_right_arithmetic3A_57 = arith.shrsi %add3A_56, %shift_right_arithmetic3A : i32
        %add3A_58 = vector.broadcast %shift_right_arithmetic3A_57 : i32 to vector<16xi32>
        %add3A_59 = arith.addi %broadcast_in_dim3A, %add3A_58 : vector<16xi32>
        %gather3A = tpu.vector_load_idx %arg10[%add3A_59] : memref<5056xi32, #tpu.memory_space<vmem>>[vector<16xi32>], vector<16xi32>,
        %shift_left3A = arith.constant 16 : i32
        %shift_left3A_60 = vector.broadcast %shift_left3A : i32 to vector<16xi32>
        %shift_left3A_61 = arith.shli %gather3A, %shift_left3A_60 : vector<16xi32>
        %bitcast3A = vector.bitcast %shift_left3A_61 : vector<16xi32> to vector<16xf32>
        %and3A = arith.constant -65536 : i32
        %and3A_62 = vector.broadcast %and3A : i32 to vector<16xi32>
        %and3A_63 = arith.andi %gather3A, %and3A_62 : vector<16xi32>
        %bitcast3A_64 = vector.bitcast %and3A_63 : vector<16xi32> to vector<16xf32>
        %and3A_65 = arith.constant 1 : i32
        %and3A_66 = arith.andi %add3A_56, %and3A_65 : i32
        %eq3A_67 = arith.constant 1 : i32
        %eq3A_68 = arith.cmpi eq, %and3A_66, %eq3A_67 : i32
        %select_n3A_69 = arith.select %eq3A_68, %bitcast3A_64, %bitcast3A : vector<16xf32>
        %get3A = arith.index_cast %add3A_56 : i32 to index
        %get3A_70 = arith.constant 0 : index
        %get3A_71 = tpu.vector_load %arg11[%get3A, %get3A_70] {strides = array<i32>} : memref<128x128xf32, #tpu.memory_space<vmem>>, vector<16xf32>,
        %mul3A_72 = arith.mulf %get3A_71, %select_n3A_69 : vector<16xf32>
        %swap3A = arith.index_cast %add3A_56 : i32 to index
        %swap3A_73 = arith.constant 0 : index
        %swap3A_74 = tpu.vector_load %arg11[%swap3A, %swap3A_73] {strides = array<i32>} : memref<128x128xf32, #tpu.memory_space<vmem>>, vector<16xf32>,
        tpu.vector_store %arg11[%swap3A, %swap3A_73], %mul3A_72 {strides = array<i32>} : memref<128x128xf32, #tpu.memory_space<vmem>>, vector<16xf32>,
        %get3A_75 = arith.index_cast %add3A_56 : i32 to index
        %get3A_76 = arith.constant 16 : index
        %get3A_77 = tpu.vector_load %arg11[%get3A_75, %get3A_76] {strides = array<i32>} : memref<128x128xf32, #tpu.memory_space<vmem>>, vector<16xf32>,
        %mul3A_78 = arith.mulf %get3A_77, %select_n3A_69 : vector<16xf32>
        %swap3A_79 = arith.index_cast %add3A_56 : i32 to index
        %swap3A_80 = arith.constant 16 : index
        %swap3A_81 = tpu.vector_load %arg11[%swap3A_79, %swap3A_80] {strides = array<i32>} : memref<128x128xf32, #tpu.memory_space<vmem>>, vector<16xf32>,
        tpu.vector_store %arg11[%swap3A_79, %swap3A_80], %mul3A_78 {strides = array<i32>} : memref<128x128xf32, #tpu.memory_space<vmem>>, vector<16xf32>,
        %get3A_82 = arith.index_cast %add3A_56 : i32 to index
        %get3A_83 = arith.constant 32 : index
        %get3A_84 = tpu.vector_load %arg11[%get3A_82, %get3A_83] {strides = array<i32>} : memref<128x128xf32, #tpu.memory_space<vmem>>, vector<16xf32>,
        %mul3A_85 = arith.mulf %get3A_84, %select_n3A_69 : vector<16xf32>
        %swap3A_86 = arith.index_cast %add3A_56 : i32 to index
        %swap3A_87 = arith.constant 32 : index
        %swap3A_88 = tpu.vector_load %arg11[%swap3A_86, %swap3A_87] {strides = array<i32>} : memref<128x128xf32, #tpu.memory_space<vmem>>, vector<16xf32>,
        tpu.vector_store %arg11[%swap3A_86, %swap3A_87], %mul3A_85 {strides = array<i32>} : memref<128x128xf32, #tpu.memory_space<vmem>>, vector<16xf32>,
        %get3A_89 = arith.index_cast %add3A_56 : i32 to index
        %get3A_90 = arith.constant 48 : index
        %get3A_91 = tpu.vector_load %arg11[%get3A_89, %get3A_90] {strides = array<i32>} : memref<128x128xf32, #tpu.memory_space<vmem>>, vector<16xf32>,
        %mul3A_92 = arith.mulf %get3A_91, %select_n3A_69 : vector<16xf32>
        %swap3A_93 = arith.index_cast %add3A_56 : i32 to index
        %swap3A_94 = arith.constant 48 : index
        %swap3A_95 = tpu.vector_load %arg11[%swap3A_93, %swap3A_94] {strides = array<i32>} : memref<128x128xf32, #tpu.memory_space<vmem>>, vector<16xf32>,
        tpu.vector_store %arg11[%swap3A_93, %swap3A_94], %mul3A_92 {strides = array<i32>} : memref<128x128xf32, #tpu.memory_space<vmem>>, vector<16xf32>,
        %get3A_96 = arith.index_cast %add3A_56 : i32 to index
        %get3A_97 = arith.constant 64 : index
        %get3A_98 = tpu.vector_load %arg11[%get3A_96, %get3A_97] {strides = array<i32>} : memref<128x128xf32, #tpu.memory_space<vmem>>, vector<16xf32>,
        %mul3A_99 = arith.mulf %get3A_98, %select_n3A_69 : vector<16xf32>
        %swap3A_100 = arith.index_cast %add3A_56 : i32 to index
        %swap3A_101 = arith.constant 64 : index
        %swap3A_102 = tpu.vector_load %arg11[%swap3A_100, %swap3A_101] {strides = array<i32>} : memref<128x128xf32, #tpu.memory_space<vmem>>, vector<16xf32>,
        tpu.vector_store %arg11[%swap3A_100, %swap3A_101], %mul3A_99 {strides = array<i32>} : memref<128x128xf32, #tpu.memory_space<vmem>>, vector<16xf32>,
        %get3A_103 = arith.index_cast %add3A_56 : i32 to index
        %get3A_104 = arith.constant 80 : index
        %get3A_105 = tpu.vector_load %arg11[%get3A_103, %get3A_104] {strides = array<i32>} : memref<128x128xf32, #tpu.memory_space<vmem>>, vector<16xf32>,
        %mul3A_106 = arith.mulf %get3A_105, %select_n3A_69 : vector<16xf32>
        %swap3A_107 = arith.index_cast %add3A_56 : i32 to index
        %swap3A_108 = arith.constant 80 : index
        %swap3A_109 = tpu.vector_load %arg11[%swap3A_107, %swap3A_108] {strides = array<i32>} : memref<128x128xf32, #tpu.memory_space<vmem>>, vector<16xf32>,
        tpu.vector_store %arg11[%swap3A_107, %swap3A_108], %mul3A_106 {strides = array<i32>} : memref<128x128xf32, #tpu.memory_space<vmem>>, vector<16xf32>,
        %get3A_110 = arith.index_cast %add3A_56 : i32 to index
        %get3A_111 = arith.constant 96 : index
        %get3A_112 = tpu.vector_load %arg11[%get3A_110, %get3A_111] {strides = array<i32>} : memref<128x128xf32, #tpu.memory_space<vmem>>, vector<16xf32>,
        %mul3A_113 = arith.mulf %get3A_112, %select_n3A_69 : vector<16xf32>
        %swap3A_114 = arith.index_cast %add3A_56 : i32 to index
        %swap3A_115 = arith.constant 96 : index
        %swap3A_116 = tpu.vector_load %arg11[%swap3A_114, %swap3A_115] {strides = array<i32>} : memref<128x128xf32, #tpu.memory_space<vmem>>, vector<16xf32>,
        tpu.vector_store %arg11[%swap3A_114, %swap3A_115], %mul3A_113 {strides = array<i32>} : memref<128x128xf32, #tpu.memory_space<vmem>>, vector<16xf32>,
        %get3A_117 = arith.index_cast %add3A_56 : i32 to index
        %get3A_118 = arith.constant 112 : index
        %get3A_119 = tpu.vector_load %arg11[%get3A_117, %get3A_118] {strides = array<i32>} : memref<128x128xf32, #tpu.memory_space<vmem>>, vector<16xf32>,
        %mul3A_120 = arith.mulf %get3A_119, %select_n3A_69 : vector<16xf32>
        %swap3A_121 = arith.index_cast %add3A_56 : i32 to index
        %swap3A_122 = arith.constant 112 : index
        %swap3A_123 = tpu.vector_load %arg11[%swap3A_121, %swap3A_122] {strides = array<i32>} : memref<128x128xf32, #tpu.memory_space<vmem>>, vector<16xf32>,
        tpu.vector_store %arg11[%swap3A_121, %swap3A_122], %mul3A_120 {strides = array<i32>} : memref<128x128xf32, #tpu.memory_space<vmem>>, vector<16xf32>,
      }
      %scan3A_51 = arith.constant 128 : i32
      "tpu.region"() ({
        %run_scoped3A = tpu.sem_alloc : memref<!tpu.dma_semaphore, #tpu.memory_space<semaphore_mem>>
        %dma_start3A_52 = arith.constant 0 : i32
        %dma_start3A_53 = tpu.memref_slice %arg9[%add3A_35, %dma_start3A_52] : memref<79x128xi32, #tpu.memory_space<vmem>> -> memref<1x128xi32, #tpu.memory_space<vmem>>
        %dma_start3A_54 = tpu.memref_squeeze %dma_start3A_53 : memref<1x128xi32, #tpu.memory_space<vmem>> -> memref<128xi32, #tpu.memory_space<vmem>>
        %dma_start3A_55 = arith.constant 0 : i32
        %dma_start3A_56 = arith.constant 0 : i32
        %dma_start3A_57 = tpu.memref_slice %arg12[%dma_start3A_55, %dma_start3A_56] : memref<10000x128xf32, #tpu.memory_space<vmem_shared>> -> memref<10000x128xf32, #tpu.memory_space<vmem_shared>>
        tpu.enqueue_indirect_dma source(%arg11 : memref<128x128xf32, #tpu.memory_space<vmem>>) target(%dma_start3A_57 : memref<10000x128xf32, #tpu.memory_space<vmem_shared>>) offsets(%dma_start3A_54 : memref<128xi32, #tpu.memory_space<vmem>>) semaphore(%run_scoped3A : memref<!tpu.dma_semaphore, #tpu.memory_space<semaphore_mem>>) {add = true}
        %dma_wait3A_58 = arith.constant 0 : i32
        %dma_wait3A_59 = tpu.memref_slice %arg9[%add3A_35, %dma_wait3A_58] : memref<79x128xi32, #tpu.memory_space<vmem>> -> memref<1x128xi32, #tpu.memory_space<vmem>>
        %dma_wait3A_60 = tpu.memref_squeeze %dma_wait3A_59 : memref<1x128xi32, #tpu.memory_space<vmem>> -> memref<128xi32, #tpu.memory_space<vmem>>
        %dma_wait3A_61 = arith.constant 0 : i32
        %dma_wait3A_62 = arith.constant 0 : i32
        %dma_wait3A_63 = tpu.memref_slice %arg12[%dma_wait3A_61, %dma_wait3A_62] : memref<10000x128xf32, #tpu.memory_space<vmem_shared>> -> memref<10000x128xf32, #tpu.memory_space<vmem_shared>>
        tpu.wait_indirect_dma semaphore(%run_scoped3A : memref<!tpu.dma_semaphore, #tpu.memory_space<semaphore_mem>>) src(%arg11 : memref<128x128xf32, #tpu.memory_space<vmem>>) dst(%dma_wait3A_63 : memref<10000x128xf32, #tpu.memory_space<vmem_shared>>)
        tpu.yield
      }) : () -> ()
    }
    %barrier3A_23 = arith.constant 0 : index
    tpu.barrier barrier_id(%barrier3A_23)
    %mul3A_24 = arith.constant 624 : i32
    %mul3A_25 = arith.muli %arg1, %mul3A_24 : i32
    %mul3A_26 = arith.constant 624 : i32
    %mul3A_27 = arith.muli %arg1, %mul3A_26 : i32
    "tpu.region"() ({
      %run_scoped3A = tpu.sem_alloc : memref<!tpu.dma_semaphore, #tpu.memory_space<semaphore_mem>>
      %dma_start3A = arith.constant 0 : i32
      %dma_start3A_33 = tpu.memref_slice %arg7[%arg0, %mul3A_27, %dma_start3A] : memref<2x10000x128xf32, #tpu.memory_space<hbm>> -> memref<1x624x128xf32, #tpu.memory_space<hbm>>
      %dma_start3A_34 = tpu.memref_squeeze %dma_start3A_33 : memref<1x624x128xf32, #tpu.memory_space<hbm>> -> memref<624x128xf32, #tpu.memory_space<hbm>>
      %dma_start3A_35 = arith.constant 0 : i32
      %dma_start3A_36 = tpu.memref_slice %arg12[%mul3A_25, %dma_start3A_35] : memref<10000x128xf32, #tpu.memory_space<vmem_shared>> -> memref<624x128xf32, #tpu.memory_space<vmem_shared>>
      tpu.enqueue_dma source(%dma_start3A_36 : memref<624x128xf32, #tpu.memory_space<vmem_shared>>) target(%dma_start3A_34 : memref<624x128xf32, #tpu.memory_space<hbm>>) target_semaphore(%run_scoped3A : memref<!tpu.dma_semaphore, #tpu.memory_space<semaphore_mem>>)
      %dma_wait3A = arith.constant 0 : i32
      %dma_wait3A_37 = tpu.memref_slice %arg7[%arg0, %mul3A_27, %dma_wait3A] : memref<2x10000x128xf32, #tpu.memory_space<hbm>> -> memref<1x624x128xf32, #tpu.memory_space<hbm>>
      %dma_wait3A_38 = tpu.memref_squeeze %dma_wait3A_37 : memref<1x624x128xf32, #tpu.memory_space<hbm>> -> memref<624x128xf32, #tpu.memory_space<hbm>>
      %dma_wait3A_39 = arith.constant 0 : i32
      %dma_wait3A_40 = tpu.memref_slice %arg12[%mul3A_25, %dma_wait3A_39] : memref<10000x128xf32, #tpu.memory_space<vmem_shared>> -> memref<624x128xf32, #tpu.memory_space<vmem_shared>>
      tpu.wait_dma2 semaphore(%run_scoped3A : memref<!tpu.dma_semaphore, #tpu.memory_space<semaphore_mem>>) src(%dma_wait3A_40 : memref<624x128xf32, #tpu.memory_space<vmem_shared>>) dst(%dma_wait3A_38 : memref<624x128xf32, #tpu.memory_space<hbm>>)
      tpu.yield
    }) : () -> ()
    %eq3A_28 = arith.constant 15 : i32
    %eq3A_29 = arith.cmpi eq, %arg1, %eq3A_28 : i32
    %convert_element_type3A_30 = arith.extui %eq3A_29 : i1 to i32
    %cond3A_31 = arith.constant 0 : i32
    %cond3A_32 = arith.cmpi ne, %convert_element_type3A_30, %cond3A_31 : i32
    scf.if %cond3A_32 {
      "tpu.region"() ({
        %run_scoped3A = tpu.sem_alloc : memref<!tpu.dma_semaphore, #tpu.memory_space<semaphore_mem>>
        %dma_start3A = arith.constant 9984 : i32
        %dma_start3A_33 = arith.constant 0 : i32
        %dma_start3A_34 = tpu.memref_slice %arg7[%arg0, %dma_start3A, %dma_start3A_33] : memref<2x10000x128xf32, #tpu.memory_space<hbm>> -> memref<1x16x128xf32, #tpu.memory_space<hbm>>
        %dma_start3A_35 = tpu.memref_squeeze %dma_start3A_34 : memref<1x16x128xf32, #tpu.memory_space<hbm>> -> memref<16x128xf32, #tpu.memory_space<hbm>>
        %dma_start3A_36 = arith.constant 9984 : i32
        %dma_start3A_37 = arith.constant 0 : i32
        %dma_start3A_38 = tpu.memref_slice %arg12[%dma_start3A_36, %dma_start3A_37] : memref<10000x128xf32, #tpu.memory_space<vmem_shared>> -> memref<16x128xf32, #tpu.memory_space<vmem_shared>>
        tpu.enqueue_dma source(%dma_start3A_38 : memref<16x128xf32, #tpu.memory_space<vmem_shared>>) target(%dma_start3A_35 : memref<16x128xf32, #tpu.memory_space<hbm>>) target_semaphore(%run_scoped3A : memref<!tpu.dma_semaphore, #tpu.memory_space<semaphore_mem>>)
        %dma_wait3A = arith.constant 9984 : i32
        %dma_wait3A_39 = arith.constant 0 : i32
        %dma_wait3A_40 = tpu.memref_slice %arg7[%arg0, %dma_wait3A, %dma_wait3A_39] : memref<2x10000x128xf32, #tpu.memory_space<hbm>> -> memref<1x16x128xf32, #tpu.memory_space<hbm>>
        %dma_wait3A_41 = tpu.memref_squeeze %dma_wait3A_40 : memref<1x16x128xf32, #tpu.memory_space<hbm>> -> memref<16x128xf32, #tpu.memory_space<hbm>>
        %dma_wait3A_42 = arith.constant 9984 : i32
        %dma_wait3A_43 = arith.constant 0 : i32
        %dma_wait3A_44 = tpu.memref_slice %arg12[%dma_wait3A_42, %dma_wait3A_43] : memref<10000x128xf32, #tpu.memory_space<vmem_shared>> -> memref<16x128xf32, #tpu.memory_space<vmem_shared>>
        tpu.wait_dma2 semaphore(%run_scoped3A : memref<!tpu.dma_semaphore, #tpu.memory_space<semaphore_mem>>) src(%dma_wait3A_44 : memref<16x128xf32, #tpu.memory_space<vmem_shared>>) dst(%dma_wait3A_41 : memref<16x128xf32, #tpu.memory_space<hbm>>)
        tpu.yield
      }) : () -> ()
    } else {
    }
    return
  }
}

#map = affine_map<(d0, d1) -> (0, 0)>
#map1 = affine_map<(d0, d1) -> (0, 0, 0, 0)>
#map2 = affine_map<(d0, d1) -> (0, 0, 0)>
module attributes {stable_mosaic.version = 14 : i64} {
  func.func @_sc_scatter_body(%arg0: i32, %arg1: i32, %arg2: memref<10000x128xf32, #tpu.memory_space<hbm>>, %arg3: memref<2x16x79x128xi32, #tpu.memory_space<hbm>>, %arg4: memref<2x16x79x128xi32, #tpu.memory_space<hbm>>, %arg5: memref<2x16x5056xi32, #tpu.memory_space<hbm>>, %arg6: memref<10000x128xf32, #tpu.memory_space<hbm>>, %arg7: memref<2x10000x128xf32, #tpu.memory_space<hbm>>, %arg8: memref<79x128xi32, #tpu.memory_space<vmem>>, %arg9: memref<79x128xi32, #tpu.memory_space<vmem>>, %arg10: memref<5056xi32, #tpu.memory_space<vmem>>, %arg11: memref<128x128xf32, #tpu.memory_space<vmem>>, %arg12: memref<10000x128xf32, #tpu.memory_space<vmem_shared>>, %arg13: memref<!tpu.dma_semaphore, #tpu.memory_space<semaphore_mem>>) attributes {dimension_semantics = [#tpu.dimension_semantics<core_parallel>, #tpu.dimension_semantics<subcore_parallel>], iteration_bounds = array<i64: 2, 16>, scalar_prefetch = 0 : i64, scratch_operands = 6 : i64, tpu.core_type = #tpu.core_type<sc_vector_subcore>, window_params = [{transform_indices = #map}, {transform_indices = #map1}, {transform_indices = #map1}, {transform_indices = #map2}, {transform_indices = #map}, {transform_indices = #map2}]} {
    %mul3A = arith.constant 624 : i32
    %mul3A_0 = arith.muli %arg1, %mul3A : i32
    %mul3A_1 = arith.constant 624 : i32
    %mul3A_2 = arith.muli %arg1, %mul3A_1 : i32
    "tpu.region"() ({
      %run_scoped3A = tpu.sem_alloc : memref<!tpu.dma_semaphore, #tpu.memory_space<semaphore_mem>>
      %dma_start3A = arith.constant 0 : i32
      %dma_start3A_33 = tpu.memref_slice %arg12[%mul3A_2, %dma_start3A] : memref<10000x128xf32, #tpu.memory_space<vmem_shared>> -> memref<624x128xf32, #tpu.memory_space<vmem_shared>>
      %dma_start3A_34 = arith.constant 0 : i32
      %dma_start3A_35 = tpu.memref_slice %arg6[%mul3A_0, %dma_start3A_34] : memref<10000x128xf32, #tpu.memory_space<hbm>> -> memref<624x128xf32, #tpu.memory_space<hbm>>
      tpu.enqueue_dma source(%dma_start3A_35 : memref<624x128xf32, #tpu.memory_space<hbm>>) target(%dma_start3A_33 : memref<624x128xf32, #tpu.memory_space<vmem_shared>>) target_semaphore(%run_scoped3A : memref<!tpu.dma_semaphore, #tpu.memory_space<semaphore_mem>>)
      %dma_wait3A = arith.constant 0 : i32
      %dma_wait3A_36 = tpu.memref_slice %arg12[%mul3A_2, %dma_wait3A] : memref<10000x128xf32, #tpu.memory_space<vmem_shared>> -> memref<624x128xf32, #tpu.memory_space<vmem_shared>>
      %dma_wait3A_37 = arith.constant 0 : i32
      %dma_wait3A_38 = tpu.memref_slice %arg6[%mul3A_0, %dma_wait3A_37] : memref<10000x128xf32, #tpu.memory_space<hbm>> -> memref<624x128xf32, #tpu.memory_space<hbm>>
      tpu.wait_dma2 semaphore(%run_scoped3A : memref<!tpu.dma_semaphore, #tpu.memory_space<semaphore_mem>>) src(%dma_wait3A_38 : memref<624x128xf32, #tpu.memory_space<hbm>>) dst(%dma_wait3A_36 : memref<624x128xf32, #tpu.memory_space<vmem_shared>>)
      tpu.yield
    }) : () -> ()
    %eq3A = arith.constant 15 : i32
    %eq3A_3 = arith.cmpi eq, %arg1, %eq3A : i32
    %convert_element_type3A = arith.extui %eq3A_3 : i1 to i32
    %cond3A = arith.constant 0 : i32
    %cond3A_4 = arith.cmpi ne, %convert_element_type3A, %cond3A : i32
    scf.if %cond3A_4 {
      "tpu.region"() ({
        %run_scoped3A = tpu.sem_alloc : memref<!tpu.dma_semaphore, #tpu.memory_space<semaphore_mem>>
        %dma_start3A = arith.constant 9984 : i32
        %dma_start3A_33 = arith.constant 0 : i32
        %dma_start3A_34 = tpu.memref_slice %arg12[%dma_start3A, %dma_start3A_33] : memref<10000x128xf32, #tpu.memory_space<vmem_shared>> -> memref<16x128xf32, #tpu.memory_space<vmem_shared>>
        %dma_start3A_35 = arith.constant 9984 : i32
        %dma_start3A_36 = arith.constant 0 : i32
        %dma_start3A_37 = tpu.memref_slice %arg6[%dma_start3A_35, %dma_start3A_36] : memref<10000x128xf32, #tpu.memory_space<hbm>> -> memref<16x128xf32, #tpu.memory_space<hbm>>
        tpu.enqueue_dma source(%dma_start3A_37 : memref<16x128xf32, #tpu.memory_space<hbm>>) target(%dma_start3A_34 : memref<16x128xf32, #tpu.memory_space<vmem_shared>>) target_semaphore(%run_scoped3A : memref<!tpu.dma_semaphore, #tpu.memory_space<semaphore_mem>>)
        %dma_wait3A = arith.constant 9984 : i32
        %dma_wait3A_38 = arith.constant 0 : i32
        %dma_wait3A_39 = tpu.memref_slice %arg12[%dma_wait3A, %dma_wait3A_38] : memref<10000x128xf32, #tpu.memory_space<vmem_shared>> -> memref<16x128xf32, #tpu.memory_space<vmem_shared>>
        %dma_wait3A_40 = arith.constant 9984 : i32
        %dma_wait3A_41 = arith.constant 0 : i32
        %dma_wait3A_42 = tpu.memref_slice %arg6[%dma_wait3A_40, %dma_wait3A_41] : memref<10000x128xf32, #tpu.memory_space<hbm>> -> memref<16x128xf32, #tpu.memory_space<hbm>>
        tpu.wait_dma2 semaphore(%run_scoped3A : memref<!tpu.dma_semaphore, #tpu.memory_space<semaphore_mem>>) src(%dma_wait3A_42 : memref<16x128xf32, #tpu.memory_space<hbm>>) dst(%dma_wait3A_39 : memref<16x128xf32, #tpu.memory_space<vmem_shared>>)
        tpu.yield
      }) : () -> ()
    } else {
    }
    %barrier3A = arith.constant 0 : index
    tpu.barrier barrier_id(%barrier3A)
    "tpu.region"() ({
      %run_scoped3A = tpu.sem_alloc : memref<!tpu.dma_semaphore, #tpu.memory_space<semaphore_mem>>
      %dma_start3A = arith.constant 0 : i32
      %dma_start3A_33 = arith.constant 0 : i32
      %dma_start3A_34 = tpu.memref_slice %arg3[%arg0, %arg1, %dma_start3A, %dma_start3A_33] : memref<2x16x79x128xi32, #tpu.memory_space<hbm>> -> memref<1x1x79x128xi32, #tpu.memory_space<hbm>>
      %dma_start3A_35 = tpu.memref_squeeze %dma_start3A_34 : memref<1x1x79x128xi32, #tpu.memory_space<hbm>> -> memref<79x128xi32, #tpu.memory_space<hbm>>
      %dma_start3A_36 = arith.constant 0 : i32
      %dma_start3A_37 = arith.constant 0 : i32
      %dma_start3A_38 = tpu.memref_slice %arg3[%arg0, %arg1, %dma_start3A_36, %dma_start3A_37] : memref<2x16x79x128xi32, #tpu.memory_space<hbm>> -> memref<1x1x79x128xi32, #tpu.memory_space<hbm>>
      %dma_start3A_39 = tpu.memref_squeeze %dma_start3A_38 : memref<1x1x79x128xi32, #tpu.memory_space<hbm>> -> memref<79x128xi32, #tpu.memory_space<hbm>>
      tpu.enqueue_dma source(%dma_start3A_39 : memref<79x128xi32, #tpu.memory_space<hbm>>) target(%arg8 : memref<79x128xi32, #tpu.memory_space<vmem>>) target_semaphore(%run_scoped3A : memref<!tpu.dma_semaphore, #tpu.memory_space<semaphore_mem>>)
      %dma_wait3A = arith.constant 0 : i32
      %dma_wait3A_40 = arith.constant 0 : i32
      %dma_wait3A_41 = tpu.memref_slice %arg3[%arg0, %arg1, %dma_wait3A, %dma_wait3A_40] : memref<2x16x79x128xi32, #tpu.memory_space<hbm>> -> memref<1x1x79x128xi32, #tpu.memory_space<hbm>>
      %dma_wait3A_42 = tpu.memref_squeeze %dma_wait3A_41 : memref<1x1x79x128xi32, #tpu.memory_space<hbm>> -> memref<79x128xi32, #tpu.memory_space<hbm>>
      %dma_wait3A_43 = arith.constant 0 : i32
      %dma_wait3A_44 = arith.constant 0 : i32
      %dma_wait3A_45 = tpu.memref_slice %arg3[%arg0, %arg1, %dma_wait3A_43, %dma_wait3A_44] : memref<2x16x79x128xi32, #tpu.memory_space<hbm>> -> memref<1x1x79x128xi32, #tpu.memory_space<hbm>>
      %dma_wait3A_46 = tpu.memref_squeeze %dma_wait3A_45 : memref<1x1x79x128xi32, #tpu.memory_space<hbm>> -> memref<79x128xi32, #tpu.memory_space<hbm>>
      tpu.wait_dma2 semaphore(%run_scoped3A : memref<!tpu.dma_semaphore, #tpu.memory_space<semaphore_mem>>) src(%dma_wait3A_46 : memref<79x128xi32, #tpu.memory_space<hbm>>) dst(%arg8 : memref<79x128xi32, #tpu.memory_space<vmem>>)
      tpu.yield
    }) : () -> ()
    "tpu.region"() ({
      %run_scoped3A = tpu.sem_alloc : memref<!tpu.dma_semaphore, #tpu.memory_space<semaphore_mem>>
      %dma_start3A = arith.constant 0 : i32
      %dma_start3A_33 = arith.constant 0 : i32
      %dma_start3A_34 = tpu.memref_slice %arg4[%arg0, %arg1, %dma_start3A, %dma_start3A_33] : memref<2x16x79x128xi32, #tpu.memory_space<hbm>> -> memref<1x1x79x128xi32, #tpu.memory_space<hbm>>
      %dma_start3A_35 = tpu.memref_squeeze %dma_start3A_34 : memref<1x1x79x128xi32, #tpu.memory_space<hbm>> -> memref<79x128xi32, #tpu.memory_space<hbm>>
      %dma_start3A_36 = arith.constant 0 : i32
      %dma_start3A_37 = arith.constant 0 : i32
      %dma_start3A_38 = tpu.memref_slice %arg4[%arg0, %arg1, %dma_start3A_36, %dma_start3A_37] : memref<2x16x79x128xi32, #tpu.memory_space<hbm>> -> memref<1x1x79x128xi32, #tpu.memory_space<hbm>>
      %dma_start3A_39 = tpu.memref_squeeze %dma_start3A_38 : memref<1x1x79x128xi32, #tpu.memory_space<hbm>> -> memref<79x128xi32, #tpu.memory_space<hbm>>
      tpu.enqueue_dma source(%dma_start3A_39 : memref<79x128xi32, #tpu.memory_space<hbm>>) target(%arg9 : memref<79x128xi32, #tpu.memory_space<vmem>>) target_semaphore(%run_scoped3A : memref<!tpu.dma_semaphore, #tpu.memory_space<semaphore_mem>>)
      %dma_wait3A = arith.constant 0 : i32
      %dma_wait3A_40 = arith.constant 0 : i32
      %dma_wait3A_41 = tpu.memref_slice %arg4[%arg0, %arg1, %dma_wait3A, %dma_wait3A_40] : memref<2x16x79x128xi32, #tpu.memory_space<hbm>> -> memref<1x1x79x128xi32, #tpu.memory_space<hbm>>
      %dma_wait3A_42 = tpu.memref_squeeze %dma_wait3A_41 : memref<1x1x79x128xi32, #tpu.memory_space<hbm>> -> memref<79x128xi32, #tpu.memory_space<hbm>>
      %dma_wait3A_43 = arith.constant 0 : i32
      %dma_wait3A_44 = arith.constant 0 : i32
      %dma_wait3A_45 = tpu.memref_slice %arg4[%arg0, %arg1, %dma_wait3A_43, %dma_wait3A_44] : memref<2x16x79x128xi32, #tpu.memory_space<hbm>> -> memref<1x1x79x128xi32, #tpu.memory_space<hbm>>
      %dma_wait3A_46 = tpu.memref_squeeze %dma_wait3A_45 : memref<1x1x79x128xi32, #tpu.memory_space<hbm>> -> memref<79x128xi32, #tpu.memory_space<hbm>>
      tpu.wait_dma2 semaphore(%run_scoped3A : memref<!tpu.dma_semaphore, #tpu.memory_space<semaphore_mem>>) src(%dma_wait3A_46 : memref<79x128xi32, #tpu.memory_space<hbm>>) dst(%arg9 : memref<79x128xi32, #tpu.memory_space<vmem>>)
      tpu.yield
    }) : () -> ()
    "tpu.region"() ({
      %run_scoped3A = tpu.sem_alloc : memref<!tpu.dma_semaphore, #tpu.memory_space<semaphore_mem>>
      %dma_start3A = arith.constant 0 : i32
      %dma_start3A_33 = tpu.memref_slice %arg5[%arg0, %arg1, %dma_start3A] : memref<2x16x5056xi32, #tpu.memory_space<hbm>> -> memref<1x1x5056xi32, #tpu.memory_space<hbm>>
      %dma_start3A_34 = tpu.memref_squeeze %dma_start3A_33 : memref<1x1x5056xi32, #tpu.memory_space<hbm>> -> memref<5056xi32, #tpu.memory_space<hbm>>
      %dma_start3A_35 = arith.constant 0 : i32
      %dma_start3A_36 = tpu.memref_slice %arg5[%arg0, %arg1, %dma_start3A_35] : memref<2x16x5056xi32, #tpu.memory_space<hbm>> -> memref<1x1x5056xi32, #tpu.memory_space<hbm>>
      %dma_start3A_37 = tpu.memref_squeeze %dma_start3A_36 : memref<1x1x5056xi32, #tpu.memory_space<hbm>> -> memref<5056xi32, #tpu.memory_space<hbm>>
      tpu.enqueue_dma source(%dma_start3A_37 : memref<5056xi32, #tpu.memory_space<hbm>>) target(%arg10 : memref<5056xi32, #tpu.memory_space<vmem>>) target_semaphore(%run_scoped3A : memref<!tpu.dma_semaphore, #tpu.memory_space<semaphore_mem>>)
      %dma_wait3A = arith.constant 0 : i32
      %dma_wait3A_38 = tpu.memref_slice %arg5[%arg0, %arg1, %dma_wait3A] : memref<2x16x5056xi32, #tpu.memory_space<hbm>> -> memref<1x1x5056xi32, #tpu.memory_space<hbm>>
      %dma_wait3A_39 = tpu.memref_squeeze %dma_wait3A_38 : memref<1x1x5056xi32, #tpu.memory_space<hbm>> -> memref<5056xi32, #tpu.memory_space<hbm>>
      %dma_wait3A_40 = arith.constant 0 : i32
      %dma_wait3A_41 = tpu.memref_slice %arg5[%arg0, %arg1, %dma_wait3A_40] : memref<2x16x5056xi32, #tpu.memory_space<hbm>> -> memref<1x1x5056xi32, #tpu.memory_space<hbm>>
      %dma_wait3A_42 = tpu.memref_squeeze %dma_wait3A_41 : memref<1x1x5056xi32, #tpu.memory_space<hbm>> -> memref<5056xi32, #tpu.memory_space<hbm>>
      tpu.wait_dma2 semaphore(%run_scoped3A : memref<!tpu.dma_semaphore, #tpu.memory_space<semaphore_mem>>) src(%dma_wait3A_42 : memref<5056xi32, #tpu.memory_space<hbm>>) dst(%arg10 : memref<5056xi32, #tpu.memory_space<vmem>>)
      tpu.yield
    }) : () -> ()
    %eq3A_5 = arith.constant 0 : i32
    %eq3A_6 = arith.cmpi eq, %arg0, %eq3A_5 : i32
    %jit3A = arith.constant 79 : i32
    %jit3A_7 = arith.constant 79 : i32
    %select_n3A = arith.select %eq3A_6, %jit3A, %jit3A_7 : i32
    %sub3A = arith.constant 0 : i32
    %sub3A_8 = arith.subi %select_n3A, %sub3A : i32
    %sub3A_9 = arith.constant 1 : i32
    %sub3A_10 = arith.constant 1 : i32
    %sub3A_11 = arith.subi %sub3A_9, %sub3A_10 : i32
    %add3A = arith.addi %sub3A_8, %sub3A_11 : i32
    %div3A = arith.constant 1 : i32
    %div3A_12 = arith.divsi %add3A, %div3A : i32
    %while3A = arith.constant 1 : i32
    %while3A_13 = arith.constant 0 : i32
    %while3A_14 = arith.constant 0 : i32
    %while3A_15 = arith.subi %div3A_12, %while3A_14 : i32
    %while3A_16 = arith.addi %while3A_14, %while3A_15 : i32
    %while3A_17 = arith.constant 1 : i32
    %while3A_18 = arith.divsi %while3A_15, %while3A_17 : i32
    %while3A_19 = arith.muli %while3A_18, %while3A_17 : i32
    %while3A_20 = arith.addi %while3A_14, %while3A_19 : i32
    %while3A_21 = arith.constant 1 : i32
    scf.for %while3A_33 = %while3A_14 to %while3A_20 step %while3A_21  : i32 {
      %mul3A_34 = arith.muli %while3A_33, %while3A : i32
      %add3A_35 = arith.addi %while3A_13, %mul3A_34 : i32
      %dma_start3A = arith.constant 0 : i32
      %dma_start3A_36 = tpu.memref_slice %arg8[%add3A_35, %dma_start3A] : memref<79x128xi32, #tpu.memory_space<vmem>> -> memref<1x128xi32, #tpu.memory_space<vmem>>
      %dma_start3A_37 = tpu.memref_squeeze %dma_start3A_36 : memref<1x128xi32, #tpu.memory_space<vmem>> -> memref<128xi32, #tpu.memory_space<vmem>>
      %dma_start3A_38 = arith.constant 0 : i32
      %dma_start3A_39 = arith.constant 0 : i32
      %dma_start3A_40 = tpu.memref_slice %arg2[%dma_start3A_38, %dma_start3A_39] : memref<10000x128xf32, #tpu.memory_space<hbm>> -> memref<10000x128xf32, #tpu.memory_space<hbm>>
      tpu.enqueue_indirect_dma source(%dma_start3A_40 : memref<10000x128xf32, #tpu.memory_space<hbm>>) target(%arg11 : memref<128x128xf32, #tpu.memory_space<vmem>>) offsets(%dma_start3A_37 : memref<128xi32, #tpu.memory_space<vmem>>) semaphore(%arg13 : memref<!tpu.dma_semaphore, #tpu.memory_space<semaphore_mem>>)
      %dma_wait3A = arith.constant 0 : i32
      %dma_wait3A_41 = tpu.memref_slice %arg8[%add3A_35, %dma_wait3A] : memref<79x128xi32, #tpu.memory_space<vmem>> -> memref<1x128xi32, #tpu.memory_space<vmem>>
      %dma_wait3A_42 = tpu.memref_squeeze %dma_wait3A_41 : memref<1x128xi32, #tpu.memory_space<vmem>> -> memref<128xi32, #tpu.memory_space<vmem>>
      %dma_wait3A_43 = arith.constant 0 : i32
      %dma_wait3A_44 = arith.constant 0 : i32
      %dma_wait3A_45 = tpu.memref_slice %arg2[%dma_wait3A_43, %dma_wait3A_44] : memref<10000x128xf32, #tpu.memory_space<hbm>> -> memref<10000x128xf32, #tpu.memory_space<hbm>>
      tpu.wait_indirect_dma semaphore(%arg13 : memref<!tpu.dma_semaphore, #tpu.memory_space<semaphore_mem>>) src(%dma_wait3A_45 : memref<10000x128xf32, #tpu.memory_space<hbm>>) dst(%arg11 : memref<128x128xf32, #tpu.memory_space<vmem>>)
      %mul3A_46 = arith.constant 64 : i32
      %mul3A_47 = arith.muli %add3A_35, %mul3A_46 : i32
      %scan3A = arith.constant 0 : i32
      %scan3A_48 = arith.constant 128 : i32
      %scan3A_49 = arith.addi %scan3A, %scan3A_48 : i32
      %scan3A_50 = arith.constant 1 : i32
      scf.for %scan3A_52 = %scan3A to %scan3A_49 step %scan3A_50  : i32 {
        %mul3A_53 = arith.constant 1 : i32
        %mul3A_54 = arith.muli %scan3A_52, %mul3A_53 : i32
        %add3A_55 = arith.constant 0 : i32
        %add3A_56 = arith.addi %add3A_55, %mul3A_54 : i32
        %broadcast_in_dim3A = vector.broadcast %mul3A_47 : i32 to vector<16xi32>
        %shift_right_arithmetic3A = arith.constant 1 : i32
        %shift_right_arithmetic3A_57 = arith.shrsi %add3A_56, %shift_right_arithmetic3A : i32
        %add3A_58 = vector.broadcast %shift_right_arithmetic3A_57 : i32 to vector<16xi32>
        %add3A_59 = arith.addi %broadcast_in_dim3A, %add3A_58 : vector<16xi32>
        %gather3A = tpu.vector_load_idx %arg10[%add3A_59] : memref<5056xi32, #tpu.memory_space<vmem>>[vector<16xi32>], vector<16xi32>,
        %shift_left3A = arith.constant 16 : i32
        %shift_left3A_60 = vector.broadcast %shift_left3A : i32 to vector<16xi32>
        %shift_left3A_61 = arith.shli %gather3A, %shift_left3A_60 : vector<16xi32>
        %bitcast3A = vector.bitcast %shift_left3A_61 : vector<16xi32> to vector<16xf32>
        %and3A = arith.constant -65536 : i32
        %and3A_62 = vector.broadcast %and3A : i32 to vector<16xi32>
        %and3A_63 = arith.andi %gather3A, %and3A_62 : vector<16xi32>
        %bitcast3A_64 = vector.bitcast %and3A_63 : vector<16xi32> to vector<16xf32>
        %and3A_65 = arith.constant 1 : i32
        %and3A_66 = arith.andi %add3A_56, %and3A_65 : i32
        %eq3A_67 = arith.constant 1 : i32
        %eq3A_68 = arith.cmpi eq, %and3A_66, %eq3A_67 : i32
        %select_n3A_69 = arith.select %eq3A_68, %bitcast3A_64, %bitcast3A : vector<16xf32>
        %get3A = arith.index_cast %add3A_56 : i32 to index
        %get3A_70 = arith.constant 0 : index
        %get3A_71 = tpu.vector_load %arg11[%get3A, %get3A_70] {strides = array<i32>} : memref<128x128xf32, #tpu.memory_space<vmem>>, vector<16xf32>,
        %mul3A_72 = arith.mulf %get3A_71, %select_n3A_69 : vector<16xf32>
        %swap3A = arith.index_cast %add3A_56 : i32 to index
        %swap3A_73 = arith.constant 0 : index
        %swap3A_74 = tpu.vector_load %arg11[%swap3A, %swap3A_73] {strides = array<i32>} : memref<128x128xf32, #tpu.memory_space<vmem>>, vector<16xf32>,
        tpu.vector_store %arg11[%swap3A, %swap3A_73], %mul3A_72 {strides = array<i32>} : memref<128x128xf32, #tpu.memory_space<vmem>>, vector<16xf32>,
        %get3A_75 = arith.index_cast %add3A_56 : i32 to index
        %get3A_76 = arith.constant 16 : index
        %get3A_77 = tpu.vector_load %arg11[%get3A_75, %get3A_76] {strides = array<i32>} : memref<128x128xf32, #tpu.memory_space<vmem>>, vector<16xf32>,
        %mul3A_78 = arith.mulf %get3A_77, %select_n3A_69 : vector<16xf32>
        %swap3A_79 = arith.index_cast %add3A_56 : i32 to index
        %swap3A_80 = arith.constant 16 : index
        %swap3A_81 = tpu.vector_load %arg11[%swap3A_79, %swap3A_80] {strides = array<i32>} : memref<128x128xf32, #tpu.memory_space<vmem>>, vector<16xf32>,
        tpu.vector_store %arg11[%swap3A_79, %swap3A_80], %mul3A_78 {strides = array<i32>} : memref<128x128xf32, #tpu.memory_space<vmem>>, vector<16xf32>,
        %get3A_82 = arith.index_cast %add3A_56 : i32 to index
        %get3A_83 = arith.constant 32 : index
        %get3A_84 = tpu.vector_load %arg11[%get3A_82, %get3A_83] {strides = array<i32>} : memref<128x128xf32, #tpu.memory_space<vmem>>, vector<16xf32>,
        %mul3A_85 = arith.mulf %get3A_84, %select_n3A_69 : vector<16xf32>
        %swap3A_86 = arith.index_cast %add3A_56 : i32 to index
        %swap3A_87 = arith.constant 32 : index
        %swap3A_88 = tpu.vector_load %arg11[%swap3A_86, %swap3A_87] {strides = array<i32>} : memref<128x128xf32, #tpu.memory_space<vmem>>, vector<16xf32>,
        tpu.vector_store %arg11[%swap3A_86, %swap3A_87], %mul3A_85 {strides = array<i32>} : memref<128x128xf32, #tpu.memory_space<vmem>>, vector<16xf32>,
        %get3A_89 = arith.index_cast %add3A_56 : i32 to index
        %get3A_90 = arith.constant 48 : index
        %get3A_91 = tpu.vector_load %arg11[%get3A_89, %get3A_90] {strides = array<i32>} : memref<128x128xf32, #tpu.memory_space<vmem>>, vector<16xf32>,
        %mul3A_92 = arith.mulf %get3A_91, %select_n3A_69 : vector<16xf32>
        %swap3A_93 = arith.index_cast %add3A_56 : i32 to index
        %swap3A_94 = arith.constant 48 : index
        %swap3A_95 = tpu.vector_load %arg11[%swap3A_93, %swap3A_94] {strides = array<i32>} : memref<128x128xf32, #tpu.memory_space<vmem>>, vector<16xf32>,
        tpu.vector_store %arg11[%swap3A_93, %swap3A_94], %mul3A_92 {strides = array<i32>} : memref<128x128xf32, #tpu.memory_space<vmem>>, vector<16xf32>,
        %get3A_96 = arith.index_cast %add3A_56 : i32 to index
        %get3A_97 = arith.constant 64 : index
        %get3A_98 = tpu.vector_load %arg11[%get3A_96, %get3A_97] {strides = array<i32>} : memref<128x128xf32, #tpu.memory_space<vmem>>, vector<16xf32>,
        %mul3A_99 = arith.mulf %get3A_98, %select_n3A_69 : vector<16xf32>
        %swap3A_100 = arith.index_cast %add3A_56 : i32 to index
        %swap3A_101 = arith.constant 64 : index
        %swap3A_102 = tpu.vector_load %arg11[%swap3A_100, %swap3A_101] {strides = array<i32>} : memref<128x128xf32, #tpu.memory_space<vmem>>, vector<16xf32>,
        tpu.vector_store %arg11[%swap3A_100, %swap3A_101], %mul3A_99 {strides = array<i32>} : memref<128x128xf32, #tpu.memory_space<vmem>>, vector<16xf32>,
        %get3A_103 = arith.index_cast %add3A_56 : i32 to index
        %get3A_104 = arith.constant 80 : index
        %get3A_105 = tpu.vector_load %arg11[%get3A_103, %get3A_104] {strides = array<i32>} : memref<128x128xf32, #tpu.memory_space<vmem>>, vector<16xf32>,
        %mul3A_106 = arith.mulf %get3A_105, %select_n3A_69 : vector<16xf32>
        %swap3A_107 = arith.index_cast %add3A_56 : i32 to index
        %swap3A_108 = arith.constant 80 : index
        %swap3A_109 = tpu.vector_load %arg11[%swap3A_107, %swap3A_108] {strides = array<i32>} : memref<128x128xf32, #tpu.memory_space<vmem>>, vector<16xf32>,
        tpu.vector_store %arg11[%swap3A_107, %swap3A_108], %mul3A_106 {strides = array<i32>} : memref<128x128xf32, #tpu.memory_space<vmem>>, vector<16xf32>,
        %get3A_110 = arith.index_cast %add3A_56 : i32 to index
        %get3A_111 = arith.constant 96 : index
        %get3A_112 = tpu.vector_load %arg11[%get3A_110, %get3A_111] {strides = array<i32>} : memref<128x128xf32, #tpu.memory_space<vmem>>, vector<16xf32>,
        %mul3A_113 = arith.mulf %get3A_112, %select_n3A_69 : vector<16xf32>
        %swap3A_114 = arith.index_cast %add3A_56 : i32 to index
        %swap3A_115 = arith.constant 96 : index
        %swap3A_116 = tpu.vector_load %arg11[%swap3A_114, %swap3A_115] {strides = array<i32>} : memref<128x128xf32, #tpu.memory_space<vmem>>, vector<16xf32>,
        tpu.vector_store %arg11[%swap3A_114, %swap3A_115], %mul3A_113 {strides = array<i32>} : memref<128x128xf32, #tpu.memory_space<vmem>>, vector<16xf32>,
        %get3A_117 = arith.index_cast %add3A_56 : i32 to index
        %get3A_118 = arith.constant 112 : index
        %get3A_119 = tpu.vector_load %arg11[%get3A_117, %get3A_118] {strides = array<i32>} : memref<128x128xf32, #tpu.memory_space<vmem>>, vector<16xf32>,
        %mul3A_120 = arith.mulf %get3A_119, %select_n3A_69 : vector<16xf32>
        %swap3A_121 = arith.index_cast %add3A_56 : i32 to index
        %swap3A_122 = arith.constant 112 : index
        %swap3A_123 = tpu.vector_load %arg11[%swap3A_121, %swap3A_122] {strides = array<i32>} : memref<128x128xf32, #tpu.memory_space<vmem>>, vector<16xf32>,
        tpu.vector_store %arg11[%swap3A_121, %swap3A_122], %mul3A_120 {strides = array<i32>} : memref<128x128xf32, #tpu.memory_space<vmem>>, vector<16xf32>,
      }
      %scan3A_51 = arith.constant 128 : i32
      "tpu.region"() ({
        %run_scoped3A = tpu.sem_alloc : memref<!tpu.dma_semaphore, #tpu.memory_space<semaphore_mem>>
        %dma_start3A_52 = arith.constant 0 : i32
        %dma_start3A_53 = tpu.memref_slice %arg9[%add3A_35, %dma_start3A_52] : memref<79x128xi32, #tpu.memory_space<vmem>> -> memref<1x128xi32, #tpu.memory_space<vmem>>
        %dma_start3A_54 = tpu.memref_squeeze %dma_start3A_53 : memref<1x128xi32, #tpu.memory_space<vmem>> -> memref<128xi32, #tpu.memory_space<vmem>>
        %dma_start3A_55 = arith.constant 0 : i32
        %dma_start3A_56 = arith.constant 0 : i32
        %dma_start3A_57 = tpu.memref_slice %arg12[%dma_start3A_55, %dma_start3A_56] : memref<10000x128xf32, #tpu.memory_space<vmem_shared>> -> memref<10000x128xf32, #tpu.memory_space<vmem_shared>>
        tpu.enqueue_indirect_dma source(%arg11 : memref<128x128xf32, #tpu.memory_space<vmem>>) target(%dma_start3A_57 : memref<10000x128xf32, #tpu.memory_space<vmem_shared>>) offsets(%dma_start3A_54 : memref<128xi32, #tpu.memory_space<vmem>>) semaphore(%run_scoped3A : memref<!tpu.dma_semaphore, #tpu.memory_space<semaphore_mem>>) {add = true}
        %dma_wait3A_58 = arith.constant 0 : i32
        %dma_wait3A_59 = tpu.memref_slice %arg9[%add3A_35, %dma_wait3A_58] : memref<79x128xi32, #tpu.memory_space<vmem>> -> memref<1x128xi32, #tpu.memory_space<vmem>>
        %dma_wait3A_60 = tpu.memref_squeeze %dma_wait3A_59 : memref<1x128xi32, #tpu.memory_space<vmem>> -> memref<128xi32, #tpu.memory_space<vmem>>
        %dma_wait3A_61 = arith.constant 0 : i32
        %dma_wait3A_62 = arith.constant 0 : i32
        %dma_wait3A_63 = tpu.memref_slice %arg12[%dma_wait3A_61, %dma_wait3A_62] : memref<10000x128xf32, #tpu.memory_space<vmem_shared>> -> memref<10000x128xf32, #tpu.memory_space<vmem_shared>>
        tpu.wait_indirect_dma semaphore(%run_scoped3A : memref<!tpu.dma_semaphore, #tpu.memory_space<semaphore_mem>>) src(%arg11 : memref<128x128xf32, #tpu.memory_space<vmem>>) dst(%dma_wait3A_63 : memref<10000x128xf32, #tpu.memory_space<vmem_shared>>)
        tpu.yield
      }) : () -> ()
    }
    %while3A_22 = arith.constant 1 : i32
    scf.for %while3A_33 = %while3A_20 to %while3A_16 step %while3A_22  : i32 {
      %mul3A_34 = arith.muli %while3A_33, %while3A : i32
      %add3A_35 = arith.addi %while3A_13, %mul3A_34 : i32
      %dma_start3A = arith.constant 0 : i32
      %dma_start3A_36 = tpu.memref_slice %arg8[%add3A_35, %dma_start3A] : memref<79x128xi32, #tpu.memory_space<vmem>> -> memref<1x128xi32, #tpu.memory_space<vmem>>
      %dma_start3A_37 = tpu.memref_squeeze %dma_start3A_36 : memref<1x128xi32, #tpu.memory_space<vmem>> -> memref<128xi32, #tpu.memory_space<vmem>>
      %dma_start3A_38 = arith.constant 0 : i32
      %dma_start3A_39 = arith.constant 0 : i32
      %dma_start3A_40 = tpu.memref_slice %arg2[%dma_start3A_38, %dma_start3A_39] : memref<10000x128xf32, #tpu.memory_space<hbm>> -> memref<10000x128xf32, #tpu.memory_space<hbm>>
      tpu.enqueue_indirect_dma source(%dma_start3A_40 : memref<10000x128xf32, #tpu.memory_space<hbm>>) target(%arg11 : memref<128x128xf32, #tpu.memory_space<vmem>>) offsets(%dma_start3A_37 : memref<128xi32, #tpu.memory_space<vmem>>) semaphore(%arg13 : memref<!tpu.dma_semaphore, #tpu.memory_space<semaphore_mem>>)
      %dma_wait3A = arith.constant 0 : i32
      %dma_wait3A_41 = tpu.memref_slice %arg8[%add3A_35, %dma_wait3A] : memref<79x128xi32, #tpu.memory_space<vmem>> -> memref<1x128xi32, #tpu.memory_space<vmem>>
      %dma_wait3A_42 = tpu.memref_squeeze %dma_wait3A_41 : memref<1x128xi32, #tpu.memory_space<vmem>> -> memref<128xi32, #tpu.memory_space<vmem>>
      %dma_wait3A_43 = arith.constant 0 : i32
      %dma_wait3A_44 = arith.constant 0 : i32
      %dma_wait3A_45 = tpu.memref_slice %arg2[%dma_wait3A_43, %dma_wait3A_44] : memref<10000x128xf32, #tpu.memory_space<hbm>> -> memref<10000x128xf32, #tpu.memory_space<hbm>>
      tpu.wait_indirect_dma semaphore(%arg13 : memref<!tpu.dma_semaphore, #tpu.memory_space<semaphore_mem>>) src(%dma_wait3A_45 : memref<10000x128xf32, #tpu.memory_space<hbm>>) dst(%arg11 : memref<128x128xf32, #tpu.memory_space<vmem>>)
      %mul3A_46 = arith.constant 64 : i32
      %mul3A_47 = arith.muli %add3A_35, %mul3A_46 : i32
      %scan3A = arith.constant 0 : i32
      %scan3A_48 = arith.constant 128 : i32
      %scan3A_49 = arith.addi %scan3A, %scan3A_48 : i32
      %scan3A_50 = arith.constant 1 : i32
      scf.for %scan3A_52 = %scan3A to %scan3A_49 step %scan3A_50  : i32 {
        %mul3A_53 = arith.constant 1 : i32
        %mul3A_54 = arith.muli %scan3A_52, %mul3A_53 : i32
        %add3A_55 = arith.constant 0 : i32
        %add3A_56 = arith.addi %add3A_55, %mul3A_54 : i32
        %broadcast_in_dim3A = vector.broadcast %mul3A_47 : i32 to vector<16xi32>
        %shift_right_arithmetic3A = arith.constant 1 : i32
        %shift_right_arithmetic3A_57 = arith.shrsi %add3A_56, %shift_right_arithmetic3A : i32
        %add3A_58 = vector.broadcast %shift_right_arithmetic3A_57 : i32 to vector<16xi32>
        %add3A_59 = arith.addi %broadcast_in_dim3A, %add3A_58 : vector<16xi32>
        %gather3A = tpu.vector_load_idx %arg10[%add3A_59] : memref<5056xi32, #tpu.memory_space<vmem>>[vector<16xi32>], vector<16xi32>,
        %shift_left3A = arith.constant 16 : i32
        %shift_left3A_60 = vector.broadcast %shift_left3A : i32 to vector<16xi32>
        %shift_left3A_61 = arith.shli %gather3A, %shift_left3A_60 : vector<16xi32>
        %bitcast3A = vector.bitcast %shift_left3A_61 : vector<16xi32> to vector<16xf32>
        %and3A = arith.constant -65536 : i32
        %and3A_62 = vector.broadcast %and3A : i32 to vector<16xi32>
        %and3A_63 = arith.andi %gather3A, %and3A_62 : vector<16xi32>
        %bitcast3A_64 = vector.bitcast %and3A_63 : vector<16xi32> to vector<16xf32>
        %and3A_65 = arith.constant 1 : i32
        %and3A_66 = arith.andi %add3A_56, %and3A_65 : i32
        %eq3A_67 = arith.constant 1 : i32
        %eq3A_68 = arith.cmpi eq, %and3A_66, %eq3A_67 : i32
        %select_n3A_69 = arith.select %eq3A_68, %bitcast3A_64, %bitcast3A : vector<16xf32>
        %get3A = arith.index_cast %add3A_56 : i32 to index
        %get3A_70 = arith.constant 0 : index
        %get3A_71 = tpu.vector_load %arg11[%get3A, %get3A_70] {strides = array<i32>} : memref<128x128xf32, #tpu.memory_space<vmem>>, vector<16xf32>,
        %mul3A_72 = arith.mulf %get3A_71, %select_n3A_69 : vector<16xf32>
        %swap3A = arith.index_cast %add3A_56 : i32 to index
        %swap3A_73 = arith.constant 0 : index
        %swap3A_74 = tpu.vector_load %arg11[%swap3A, %swap3A_73] {strides = array<i32>} : memref<128x128xf32, #tpu.memory_space<vmem>>, vector<16xf32>,
        tpu.vector_store %arg11[%swap3A, %swap3A_73], %mul3A_72 {strides = array<i32>} : memref<128x128xf32, #tpu.memory_space<vmem>>, vector<16xf32>,
        %get3A_75 = arith.index_cast %add3A_56 : i32 to index
        %get3A_76 = arith.constant 16 : index
        %get3A_77 = tpu.vector_load %arg11[%get3A_75, %get3A_76] {strides = array<i32>} : memref<128x128xf32, #tpu.memory_space<vmem>>, vector<16xf32>,
        %mul3A_78 = arith.mulf %get3A_77, %select_n3A_69 : vector<16xf32>
        %swap3A_79 = arith.index_cast %add3A_56 : i32 to index
        %swap3A_80 = arith.constant 16 : index
        %swap3A_81 = tpu.vector_load %arg11[%swap3A_79, %swap3A_80] {strides = array<i32>} : memref<128x128xf32, #tpu.memory_space<vmem>>, vector<16xf32>,
        tpu.vector_store %arg11[%swap3A_79, %swap3A_80], %mul3A_78 {strides = array<i32>} : memref<128x128xf32, #tpu.memory_space<vmem>>, vector<16xf32>,
        %get3A_82 = arith.index_cast %add3A_56 : i32 to index
        %get3A_83 = arith.constant 32 : index
        %get3A_84 = tpu.vector_load %arg11[%get3A_82, %get3A_83] {strides = array<i32>} : memref<128x128xf32, #tpu.memory_space<vmem>>, vector<16xf32>,
        %mul3A_85 = arith.mulf %get3A_84, %select_n3A_69 : vector<16xf32>
        %swap3A_86 = arith.index_cast %add3A_56 : i32 to index
        %swap3A_87 = arith.constant 32 : index
        %swap3A_88 = tpu.vector_load %arg11[%swap3A_86, %swap3A_87] {strides = array<i32>} : memref<128x128xf32, #tpu.memory_space<vmem>>, vector<16xf32>,
        tpu.vector_store %arg11[%swap3A_86, %swap3A_87], %mul3A_85 {strides = array<i32>} : memref<128x128xf32, #tpu.memory_space<vmem>>, vector<16xf32>,
        %get3A_89 = arith.index_cast %add3A_56 : i32 to index
        %get3A_90 = arith.constant 48 : index
        %get3A_91 = tpu.vector_load %arg11[%get3A_89, %get3A_90] {strides = array<i32>} : memref<128x128xf32, #tpu.memory_space<vmem>>, vector<16xf32>,
        %mul3A_92 = arith.mulf %get3A_91, %select_n3A_69 : vector<16xf32>
        %swap3A_93 = arith.index_cast %add3A_56 : i32 to index
        %swap3A_94 = arith.constant 48 : index
        %swap3A_95 = tpu.vector_load %arg11[%swap3A_93, %swap3A_94] {strides = array<i32>} : memref<128x128xf32, #tpu.memory_space<vmem>>, vector<16xf32>,
        tpu.vector_store %arg11[%swap3A_93, %swap3A_94], %mul3A_92 {strides = array<i32>} : memref<128x128xf32, #tpu.memory_space<vmem>>, vector<16xf32>,
        %get3A_96 = arith.index_cast %add3A_56 : i32 to index
        %get3A_97 = arith.constant 64 : index
        %get3A_98 = tpu.vector_load %arg11[%get3A_96, %get3A_97] {strides = array<i32>} : memref<128x128xf32, #tpu.memory_space<vmem>>, vector<16xf32>,
        %mul3A_99 = arith.mulf %get3A_98, %select_n3A_69 : vector<16xf32>
        %swap3A_100 = arith.index_cast %add3A_56 : i32 to index
        %swap3A_101 = arith.constant 64 : index
        %swap3A_102 = tpu.vector_load %arg11[%swap3A_100, %swap3A_101] {strides = array<i32>} : memref<128x128xf32, #tpu.memory_space<vmem>>, vector<16xf32>,
        tpu.vector_store %arg11[%swap3A_100, %swap3A_101], %mul3A_99 {strides = array<i32>} : memref<128x128xf32, #tpu.memory_space<vmem>>, vector<16xf32>,
        %get3A_103 = arith.index_cast %add3A_56 : i32 to index
        %get3A_104 = arith.constant 80 : index
        %get3A_105 = tpu.vector_load %arg11[%get3A_103, %get3A_104] {strides = array<i32>} : memref<128x128xf32, #tpu.memory_space<vmem>>, vector<16xf32>,
        %mul3A_106 = arith.mulf %get3A_105, %select_n3A_69 : vector<16xf32>
        %swap3A_107 = arith.index_cast %add3A_56 : i32 to index
        %swap3A_108 = arith.constant 80 : index
        %swap3A_109 = tpu.vector_load %arg11[%swap3A_107, %swap3A_108] {strides = array<i32>} : memref<128x128xf32, #tpu.memory_space<vmem>>, vector<16xf32>,
        tpu.vector_store %arg11[%swap3A_107, %swap3A_108], %mul3A_106 {strides = array<i32>} : memref<128x128xf32, #tpu.memory_space<vmem>>, vector<16xf32>,
        %get3A_110 = arith.index_cast %add3A_56 : i32 to index
        %get3A_111 = arith.constant 96 : index
        %get3A_112 = tpu.vector_load %arg11[%get3A_110, %get3A_111] {strides = array<i32>} : memref<128x128xf32, #tpu.memory_space<vmem>>, vector<16xf32>,
        %mul3A_113 = arith.mulf %get3A_112, %select_n3A_69 : vector<16xf32>
        %swap3A_114 = arith.index_cast %add3A_56 : i32 to index
        %swap3A_115 = arith.constant 96 : index
        %swap3A_116 = tpu.vector_load %arg11[%swap3A_114, %swap3A_115] {strides = array<i32>} : memref<128x128xf32, #tpu.memory_space<vmem>>, vector<16xf32>,
        tpu.vector_store %arg11[%swap3A_114, %swap3A_115], %mul3A_113 {strides = array<i32>} : memref<128x128xf32, #tpu.memory_space<vmem>>, vector<16xf32>,
        %get3A_117 = arith.index_cast %add3A_56 : i32 to index
        %get3A_118 = arith.constant 112 : index
        %get3A_119 = tpu.vector_load %arg11[%get3A_117, %get3A_118] {strides = array<i32>} : memref<128x128xf32, #tpu.memory_space<vmem>>, vector<16xf32>,
        %mul3A_120 = arith.mulf %get3A_119, %select_n3A_69 : vector<16xf32>
        %swap3A_121 = arith.index_cast %add3A_56 : i32 to index
        %swap3A_122 = arith.constant 112 : index
        %swap3A_123 = tpu.vector_load %arg11[%swap3A_121, %swap3A_122] {strides = array<i32>} : memref<128x128xf32, #tpu.memory_space<vmem>>, vector<16xf32>,
        tpu.vector_store %arg11[%swap3A_121, %swap3A_122], %mul3A_120 {strides = array<i32>} : memref<128x128xf32, #tpu.memory_space<vmem>>, vector<16xf32>,
      }
      %scan3A_51 = arith.constant 128 : i32
      "tpu.region"() ({
        %run_scoped3A = tpu.sem_alloc : memref<!tpu.dma_semaphore, #tpu.memory_space<semaphore_mem>>
        %dma_start3A_52 = arith.constant 0 : i32
        %dma_start3A_53 = tpu.memref_slice %arg9[%add3A_35, %dma_start3A_52] : memref<79x128xi32, #tpu.memory_space<vmem>> -> memref<1x128xi32, #tpu.memory_space<vmem>>
        %dma_start3A_54 = tpu.memref_squeeze %dma_start3A_53 : memref<1x128xi32, #tpu.memory_space<vmem>> -> memref<128xi32, #tpu.memory_space<vmem>>
        %dma_start3A_55 = arith.constant 0 : i32
        %dma_start3A_56 = arith.constant 0 : i32
        %dma_start3A_57 = tpu.memref_slice %arg12[%dma_start3A_55, %dma_start3A_56] : memref<10000x128xf32, #tpu.memory_space<vmem_shared>> -> memref<10000x128xf32, #tpu.memory_space<vmem_shared>>
        tpu.enqueue_indirect_dma source(%arg11 : memref<128x128xf32, #tpu.memory_space<vmem>>) target(%dma_start3A_57 : memref<10000x128xf32, #tpu.memory_space<vmem_shared>>) offsets(%dma_start3A_54 : memref<128xi32, #tpu.memory_space<vmem>>) semaphore(%run_scoped3A : memref<!tpu.dma_semaphore, #tpu.memory_space<semaphore_mem>>) {add = true}
        %dma_wait3A_58 = arith.constant 0 : i32
        %dma_wait3A_59 = tpu.memref_slice %arg9[%add3A_35, %dma_wait3A_58] : memref<79x128xi32, #tpu.memory_space<vmem>> -> memref<1x128xi32, #tpu.memory_space<vmem>>
        %dma_wait3A_60 = tpu.memref_squeeze %dma_wait3A_59 : memref<1x128xi32, #tpu.memory_space<vmem>> -> memref<128xi32, #tpu.memory_space<vmem>>
        %dma_wait3A_61 = arith.constant 0 : i32
        %dma_wait3A_62 = arith.constant 0 : i32
        %dma_wait3A_63 = tpu.memref_slice %arg12[%dma_wait3A_61, %dma_wait3A_62] : memref<10000x128xf32, #tpu.memory_space<vmem_shared>> -> memref<10000x128xf32, #tpu.memory_space<vmem_shared>>
        tpu.wait_indirect_dma semaphore(%run_scoped3A : memref<!tpu.dma_semaphore, #tpu.memory_space<semaphore_mem>>) src(%arg11 : memref<128x128xf32, #tpu.memory_space<vmem>>) dst(%dma_wait3A_63 : memref<10000x128xf32, #tpu.memory_space<vmem_shared>>)
        tpu.yield
      }) : () -> ()
    }
    %barrier3A_23 = arith.constant 0 : index
    tpu.barrier barrier_id(%barrier3A_23)
    %mul3A_24 = arith.constant 624 : i32
    %mul3A_25 = arith.muli %arg1, %mul3A_24 : i32
    %mul3A_26 = arith.constant 624 : i32
    %mul3A_27 = arith.muli %arg1, %mul3A_26 : i32
    "tpu.region"() ({
      %run_scoped3A = tpu.sem_alloc : memref<!tpu.dma_semaphore, #tpu.memory_space<semaphore_mem>>
      %dma_start3A = arith.constant 0 : i32
      %dma_start3A_33 = tpu.memref_slice %arg7[%arg0, %mul3A_27, %dma_start3A] : memref<2x10000x128xf32, #tpu.memory_space<hbm>> -> memref<1x624x128xf32, #tpu.memory_space<hbm>>
      %dma_start3A_34 = tpu.memref_squeeze %dma_start3A_33 : memref<1x624x128xf32, #tpu.memory_space<hbm>> -> memref<624x128xf32, #tpu.memory_space<hbm>>
      %dma_start3A_35 = arith.constant 0 : i32
      %dma_start3A_36 = tpu.memref_slice %arg12[%mul3A_25, %dma_start3A_35] : memref<10000x128xf32, #tpu.memory_space<vmem_shared>> -> memref<624x128xf32, #tpu.memory_space<vmem_shared>>
      tpu.enqueue_dma source(%dma_start3A_36 : memref<624x128xf32, #tpu.memory_space<vmem_shared>>) target(%dma_start3A_34 : memref<624x128xf32, #tpu.memory_space<hbm>>) target_semaphore(%run_scoped3A : memref<!tpu.dma_semaphore, #tpu.memory_space<semaphore_mem>>)
      %dma_wait3A = arith.constant 0 : i32
      %dma_wait3A_37 = tpu.memref_slice %arg7[%arg0, %mul3A_27, %dma_wait3A] : memref<2x10000x128xf32, #tpu.memory_space<hbm>> -> memref<1x624x128xf32, #tpu.memory_space<hbm>>
      %dma_wait3A_38 = tpu.memref_squeeze %dma_wait3A_37 : memref<1x624x128xf32, #tpu.memory_space<hbm>> -> memref<624x128xf32, #tpu.memory_space<hbm>>
      %dma_wait3A_39 = arith.constant 0 : i32
      %dma_wait3A_40 = tpu.memref_slice %arg12[%mul3A_25, %dma_wait3A_39] : memref<10000x128xf32, #tpu.memory_space<vmem_shared>> -> memref<624x128xf32, #tpu.memory_space<vmem_shared>>
      tpu.wait_dma2 semaphore(%run_scoped3A : memref<!tpu.dma_semaphore, #tpu.memory_space<semaphore_mem>>) src(%dma_wait3A_40 : memref<624x128xf32, #tpu.memory_space<vmem_shared>>) dst(%dma_wait3A_38 : memref<624x128xf32, #tpu.memory_space<hbm>>)
      tpu.yield
    }) : () -> ()
    %eq3A_28 = arith.constant 15 : i32
    %eq3A_29 = arith.cmpi eq, %arg1, %eq3A_28 : i32
    %convert_element_type3A_30 = arith.extui %eq3A_29 : i1 to i32
    %cond3A_31 = arith.constant 0 : i32
    %cond3A_32 = arith.cmpi ne, %convert_element_type3A_30, %cond3A_31 : i32
    scf.if %cond3A_32 {
      "tpu.region"() ({
        %run_scoped3A = tpu.sem_alloc : memref<!tpu.dma_semaphore, #tpu.memory_space<semaphore_mem>>
        %dma_start3A = arith.constant 9984 : i32
        %dma_start3A_33 = arith.constant 0 : i32
        %dma_start3A_34 = tpu.memref_slice %arg7[%arg0, %dma_start3A, %dma_start3A_33] : memref<2x10000x128xf32, #tpu.memory_space<hbm>> -> memref<1x16x128xf32, #tpu.memory_space<hbm>>
        %dma_start3A_35 = tpu.memref_squeeze %dma_start3A_34 : memref<1x16x128xf32, #tpu.memory_space<hbm>> -> memref<16x128xf32, #tpu.memory_space<hbm>>
        %dma_start3A_36 = arith.constant 9984 : i32
        %dma_start3A_37 = arith.constant 0 : i32
        %dma_start3A_38 = tpu.memref_slice %arg12[%dma_start3A_36, %dma_start3A_37] : memref<10000x128xf32, #tpu.memory_space<vmem_shared>> -> memref<16x128xf32, #tpu.memory_space<vmem_shared>>
        tpu.enqueue_dma source(%dma_start3A_38 : memref<16x128xf32, #tpu.memory_space<vmem_shared>>) target(%dma_start3A_35 : memref<16x128xf32, #tpu.memory_space<hbm>>) target_semaphore(%run_scoped3A : memref<!tpu.dma_semaphore, #tpu.memory_space<semaphore_mem>>)
        %dma_wait3A = arith.constant 9984 : i32
        %dma_wait3A_39 = arith.constant 0 : i32
        %dma_wait3A_40 = tpu.memref_slice %arg7[%arg0, %dma_wait3A, %dma_wait3A_39] : memref<2x10000x128xf32, #tpu.memory_space<hbm>> -> memref<1x16x128xf32, #tpu.memory_space<hbm>>
        %dma_wait3A_41 = tpu.memref_squeeze %dma_wait3A_40 : memref<1x16x128xf32, #tpu.memory_space<hbm>> -> memref<16x128xf32, #tpu.memory_space<hbm>>
        %dma_wait3A_42 = arith.constant 9984 : i32
        %dma_wait3A_43 = arith.constant 0 : i32
        %dma_wait3A_44 = tpu.memref_slice %arg12[%dma_wait3A_42, %dma_wait3A_43] : memref<10000x128xf32, #tpu.memory_space<vmem_shared>> -> memref<16x128xf32, #tpu.memory_space<vmem_shared>>
        tpu.wait_dma2 semaphore(%run_scoped3A : memref<!tpu.dma_semaphore, #tpu.memory_space<semaphore_mem>>) src(%dma_wait3A_44 : memref<16x128xf32, #tpu.memory_space<vmem_shared>>) dst(%dma_wait3A_41 : memref<16x128xf32, #tpu.memory_space<hbm>>)
        tpu.yield
      }) : () -> ()
    } else {
    }
    return
  }
}

module attributes {stable_mosaic.version = 14 : i64} {
  func.func @_pre_body(%arg0: i32, %arg1: memref<2000x128xf32, #tpu.memory_space<vmem>>, %arg2: memref<128x128xf32, #tpu.memory_space<vmem>>, %arg3: memref<128x128xf32, #tpu.memory_space<vmem>>, %arg4: memref<1x128xf32, #tpu.memory_space<vmem>>, %arg5: memref<2000x128xf32, #tpu.memory_space<vmem>>, %arg6: memref<2000x128xf32, #tpu.memory_space<vmem>>) attributes {dimension_semantics = [#tpu.dimension_semantics<arbitrary>], iteration_bounds = array<i64: 5>, scalar_prefetch = 0 : i64, scratch_operands = 0 : i64, tpu.core_type = #tpu.core_type<tc>, window_params = [{transform_indices = @transform_0, window_bounds = array<i64: 2000, 128>}, {pipeline_mode = #tpu.pipeline_mode<synchronous>, transform_indices = @transform_1, window_bounds = array<i64: 128, 128>}, {pipeline_mode = #tpu.pipeline_mode<synchronous>, transform_indices = @transform_2, window_bounds = array<i64: 128, 128>}, {pipeline_mode = #tpu.pipeline_mode<synchronous>, transform_indices = @transform_3, window_bounds = array<i64: 1, 128>}, {transform_indices = @transform_4, window_bounds = array<i64: 2000, 128>}, {transform_indices = @transform_5, window_bounds = array<i64: 2000, 128>}]} {
    %get3A = arith.constant 0 : index
    %get3A_0 = arith.constant 0 : index
    %get3A_1 = vector.load %arg1[%get3A, %get3A_0] : memref<2000x128xf32, #tpu.memory_space<vmem>>, vector<2000x128xf32>
    %get3A_2 = arith.constant 0 : index
    %get3A_3 = arith.constant 0 : index
    %get3A_4 = vector.load %arg2[%get3A_2, %get3A_3] : memref<128x128xf32, #tpu.memory_space<vmem>>, vector<128x128xf32>
    %dot_general3A = arith.constant dense<0.000000e+00> : vector<2000x128xf32>
    %dot_general3A_5 = tpu.matmul %get3A_1, %get3A_4, %dot_general3A {dimension_numbers = #tpu.dot_dimension_numbers<[1], [0], [0], [1], [0, 0, 1, 1], [], []>, transpose_lhs_hint = false} : vector<2000x128xf32>, vector<128x128xf32>, vector<2000x128xf32> -> vector<2000x128xf32>
    %swap3A = arith.constant 0 : index
    %swap3A_6 = arith.constant 0 : index
    %swap3A_7 = vector.load %arg5[%swap3A, %swap3A_6] : memref<2000x128xf32, #tpu.memory_space<vmem>>, vector<2000x128xf32>
    tpu.vector_store %arg5[%swap3A, %swap3A_6], %dot_general3A_5 {strides = array<i32>} : memref<2000x128xf32, #tpu.memory_space<vmem>>, vector<2000x128xf32>,
    %get3A_8 = arith.constant 0 : index
    %get3A_9 = arith.constant 0 : index
    %get3A_10 = vector.load %arg3[%get3A_8, %get3A_9] : memref<128x128xf32, #tpu.memory_space<vmem>>, vector<128x128xf32>
    %dot_general3A_11 = arith.constant dense<0.000000e+00> : vector<2000x128xf32>
    %dot_general3A_12 = tpu.matmul %get3A_1, %get3A_10, %dot_general3A_11 {dimension_numbers = #tpu.dot_dimension_numbers<[1], [0], [0], [1], [0, 0, 1, 1], [], []>, transpose_lhs_hint = false} : vector<2000x128xf32>, vector<128x128xf32>, vector<2000x128xf32> -> vector<2000x128xf32>
    %get3A_13 = arith.constant 0 : index
    %get3A_14 = arith.constant 0 : index
    %get3A_15 = vector.load %arg4[%get3A_13, %get3A_14] : memref<1x128xf32, #tpu.memory_space<vmem>>, vector<1x128xf32>
    %add3A = vector.broadcast %get3A_15 : vector<1x128xf32> to vector<2000x128xf32>
    %add3A_16 = arith.addf %dot_general3A_12, %add3A : vector<2000x128xf32>
    %swap3A_17 = arith.constant 0 : index
    %swap3A_18 = arith.constant 0 : index
    %swap3A_19 = vector.load %arg6[%swap3A_17, %swap3A_18] : memref<2000x128xf32, #tpu.memory_space<vmem>>, vector<2000x128xf32>
    tpu.vector_store %arg6[%swap3A_17, %swap3A_18], %add3A_16 {strides = array<i32>} : memref<2000x128xf32, #tpu.memory_space<vmem>>, vector<2000x128xf32>,
    return
  }
  func.func @transform_0(%arg0: i32) -> (i32, i32) {
    %c0_i32 = arith.constant 0 : i32
    %c0_i32_0 = arith.constant 0 : i32
    return %arg0, %c0_i32 : i32, i32
  }
  func.func @transform_1(%arg0: i32) -> (i32, i32) {
    %c0_i32 = arith.constant 0 : i32
    %c0_i32_0 = arith.constant 0 : i32
    %c0_i32_1 = arith.constant 0 : i32
    return %c0_i32, %c0_i32_0 : i32, i32
  }
  func.func @transform_2(%arg0: i32) -> (i32, i32) {
    %c0_i32 = arith.constant 0 : i32
    %c0_i32_0 = arith.constant 0 : i32
    %c0_i32_1 = arith.constant 0 : i32
    return %c0_i32, %c0_i32_0 : i32, i32
  }
  func.func @transform_3(%arg0: i32) -> (i32, i32) {
    %c0_i32 = arith.constant 0 : i32
    %c0_i32_0 = arith.constant 0 : i32
    %c0_i32_1 = arith.constant 0 : i32
    return %c0_i32, %c0_i32_0 : i32, i32
  }
  func.func @transform_4(%arg0: i32) -> (i32, i32) {
    %c0_i32 = arith.constant 0 : i32
    %c0_i32_0 = arith.constant 0 : i32
    return %arg0, %c0_i32 : i32, i32
  }
  func.func @transform_5(%arg0: i32) -> (i32, i32) {
    %c0_i32 = arith.constant 0 : i32
    %c0_i32_0 = arith.constant 0 : i32
    return %arg0, %c0_i32 : i32, i32
  }
}

module attributes {stable_mosaic.version = 14 : i64} {
  func.func @_mid_body(%arg0: i32, %arg1: memref<2x2000x128xf32, #tpu.memory_space<vmem>>, %arg2: memref<2000x128xf32, #tpu.memory_space<vmem>>, %arg3: memref<128x128xf32, #tpu.memory_space<vmem>>, %arg4: memref<128x128xf32, #tpu.memory_space<vmem>>, %arg5: memref<1x128xf32, #tpu.memory_space<vmem>>, %arg6: memref<2000x128xf32, #tpu.memory_space<vmem>>, %arg7: memref<2000x128xf32, #tpu.memory_space<vmem>>) attributes {dimension_semantics = [#tpu.dimension_semantics<arbitrary>], iteration_bounds = array<i64: 5>, scalar_prefetch = 0 : i64, scratch_operands = 0 : i64, tpu.core_type = #tpu.core_type<tc>, window_params = [{transform_indices = @transform_0, window_bounds = array<i64: 2, 2000, 128>}, {transform_indices = @transform_1, window_bounds = array<i64: 2000, 128>}, {pipeline_mode = #tpu.pipeline_mode<synchronous>, transform_indices = @transform_2, window_bounds = array<i64: 128, 128>}, {pipeline_mode = #tpu.pipeline_mode<synchronous>, transform_indices = @transform_3, window_bounds = array<i64: 128, 128>}, {pipeline_mode = #tpu.pipeline_mode<synchronous>, transform_indices = @transform_4, window_bounds = array<i64: 1, 128>}, {transform_indices = @transform_5, window_bounds = array<i64: 2000, 128>}, {transform_indices = @transform_6, window_bounds = array<i64: 2000, 128>}]} {
    %get3A = arith.constant 0 : index
    %get3A_0 = arith.constant 0 : index
    %get3A_1 = arith.constant 0 : index
    %get3A_2 = vector.load %arg1[%get3A, %get3A_0, %get3A_1] : memref<2x2000x128xf32, #tpu.memory_space<vmem>>, vector<1x2000x128xf32>
    %get3A_3 = vector.shape_cast %get3A_2 : vector<1x2000x128xf32> to vector<2000x128xf32>
    %get3A_4 = arith.constant 1 : index
    %get3A_5 = arith.constant 0 : index
    %get3A_6 = arith.constant 0 : index
    %get3A_7 = vector.load %arg1[%get3A_4, %get3A_5, %get3A_6] : memref<2x2000x128xf32, #tpu.memory_space<vmem>>, vector<1x2000x128xf32>
    %get3A_8 = vector.shape_cast %get3A_7 : vector<1x2000x128xf32> to vector<2000x128xf32>
    %add3A = arith.addf %get3A_3, %get3A_8 : vector<2000x128xf32>
    %get3A_9 = arith.constant 0 : index
    %get3A_10 = arith.constant 0 : index
    %get3A_11 = vector.load %arg2[%get3A_9, %get3A_10] : memref<2000x128xf32, #tpu.memory_space<vmem>>, vector<2000x128xf32>
    %add3A_12 = arith.addf %add3A, %get3A_11 : vector<2000x128xf32>
    %gt3A = arith.constant 0.000000e+00 : f32
    %gt3A_13 = vector.broadcast %gt3A : f32 to vector<2000x128xf32>
    %gt3A_14 = arith.cmpf ogt, %add3A_12, %gt3A_13 : vector<2000x128xf32>
    %min3A = arith.constant 0.000000e+00 : f32
    %min3A_15 = vector.broadcast %min3A : f32 to vector<2000x128xf32>
    %min3A_16 = arith.minimumf %add3A_12, %min3A_15 : vector<2000x128xf32>
    %exp3A = math.exp %min3A_16 : vector<2000x128xf32>
    %sub3A = arith.constant 1.000000e+00 : f32
    %sub3A_17 = vector.broadcast %sub3A : f32 to vector<2000x128xf32>
    %sub3A_18 = arith.subf %exp3A, %sub3A_17 : vector<2000x128xf32>
    %select_n3A = arith.select %gt3A_14, %add3A_12, %sub3A_18 : vector<2000x128xi1>, vector<2000x128xf32>
    %get3A_19 = arith.constant 0 : index
    %get3A_20 = arith.constant 0 : index
    %get3A_21 = vector.load %arg3[%get3A_19, %get3A_20] : memref<128x128xf32, #tpu.memory_space<vmem>>, vector<128x128xf32>
    %dot_general3A = arith.constant dense<0.000000e+00> : vector<2000x128xf32>
    %dot_general3A_22 = tpu.matmul %select_n3A, %get3A_21, %dot_general3A {dimension_numbers = #tpu.dot_dimension_numbers<[1], [0], [0], [1], [0, 0, 1, 1], [], []>, transpose_lhs_hint = false} : vector<2000x128xf32>, vector<128x128xf32>, vector<2000x128xf32> -> vector<2000x128xf32>
    %swap3A = arith.constant 0 : index
    %swap3A_23 = arith.constant 0 : index
    %swap3A_24 = vector.load %arg6[%swap3A, %swap3A_23] : memref<2000x128xf32, #tpu.memory_space<vmem>>, vector<2000x128xf32>
    tpu.vector_store %arg6[%swap3A, %swap3A_23], %dot_general3A_22 {strides = array<i32>} : memref<2000x128xf32, #tpu.memory_space<vmem>>, vector<2000x128xf32>,
    %get3A_25 = arith.constant 0 : index
    %get3A_26 = arith.constant 0 : index
    %get3A_27 = vector.load %arg4[%get3A_25, %get3A_26] : memref<128x128xf32, #tpu.memory_space<vmem>>, vector<128x128xf32>
    %dot_general3A_28 = arith.constant dense<0.000000e+00> : vector<2000x128xf32>
    %dot_general3A_29 = tpu.matmul %select_n3A, %get3A_27, %dot_general3A_28 {dimension_numbers = #tpu.dot_dimension_numbers<[1], [0], [0], [1], [0, 0, 1, 1], [], []>, transpose_lhs_hint = false} : vector<2000x128xf32>, vector<128x128xf32>, vector<2000x128xf32> -> vector<2000x128xf32>
    %get3A_30 = arith.constant 0 : index
    %get3A_31 = arith.constant 0 : index
    %get3A_32 = vector.load %arg5[%get3A_30, %get3A_31] : memref<1x128xf32, #tpu.memory_space<vmem>>, vector<1x128xf32>
    %add3A_33 = vector.broadcast %get3A_32 : vector<1x128xf32> to vector<2000x128xf32>
    %add3A_34 = arith.addf %dot_general3A_29, %add3A_33 : vector<2000x128xf32>
    %swap3A_35 = arith.constant 0 : index
    %swap3A_36 = arith.constant 0 : index
    %swap3A_37 = vector.load %arg7[%swap3A_35, %swap3A_36] : memref<2000x128xf32, #tpu.memory_space<vmem>>, vector<2000x128xf32>
    tpu.vector_store %arg7[%swap3A_35, %swap3A_36], %add3A_34 {strides = array<i32>} : memref<2000x128xf32, #tpu.memory_space<vmem>>, vector<2000x128xf32>,
    return
  }
  func.func @transform_0(%arg0: i32) -> (i32, i32, i32) {
    %c0_i32 = arith.constant 0 : i32
    %c0_i32_0 = arith.constant 0 : i32
    %c0_i32_1 = arith.constant 0 : i32
    return %c0_i32, %arg0, %c0_i32_0 : i32, i32, i32
  }
  func.func @transform_1(%arg0: i32) -> (i32, i32) {
    %c0_i32 = arith.constant 0 : i32
    %c0_i32_0 = arith.constant 0 : i32
    return %arg0, %c0_i32 : i32, i32
  }
  func.func @transform_2(%arg0: i32) -> (i32, i32) {
    %c0_i32 = arith.constant 0 : i32
    %c0_i32_0 = arith.constant 0 : i32
    %c0_i32_1 = arith.constant 0 : i32
    return %c0_i32, %c0_i32_0 : i32, i32
  }
  func.func @transform_3(%arg0: i32) -> (i32, i32) {
    %c0_i32 = arith.constant 0 : i32
    %c0_i32_0 = arith.constant 0 : i32
    %c0_i32_1 = arith.constant 0 : i32
    return %c0_i32, %c0_i32_0 : i32, i32
  }
  func.func @transform_4(%arg0: i32) -> (i32, i32) {
    %c0_i32 = arith.constant 0 : i32
    %c0_i32_0 = arith.constant 0 : i32
    %c0_i32_1 = arith.constant 0 : i32
    return %c0_i32, %c0_i32_0 : i32, i32
  }
  func.func @transform_5(%arg0: i32) -> (i32, i32) {
    %c0_i32 = arith.constant 0 : i32
    %c0_i32_0 = arith.constant 0 : i32
    return %arg0, %c0_i32 : i32, i32
  }
  func.func @transform_6(%arg0: i32) -> (i32, i32) {
    %c0_i32 = arith.constant 0 : i32
    %c0_i32_0 = arith.constant 0 : i32
    return %arg0, %c0_i32 : i32, i32
  }
}

module attributes {stable_mosaic.version = 14 : i64} {
  func.func @_final_body(%arg0: i32, %arg1: memref<2x2000x128xf32, #tpu.memory_space<vmem>>, %arg2: memref<2000x128xf32, #tpu.memory_space<vmem>>, %arg3: memref<2000x128xf32, #tpu.memory_space<vmem>>) attributes {dimension_semantics = [#tpu.dimension_semantics<arbitrary>], iteration_bounds = array<i64: 5>, scalar_prefetch = 0 : i64, scratch_operands = 0 : i64, tpu.core_type = #tpu.core_type<tc>, window_params = [{transform_indices = @transform_0, window_bounds = array<i64: 2, 2000, 128>}, {transform_indices = @transform_1, window_bounds = array<i64: 2000, 128>}, {transform_indices = @transform_2, window_bounds = array<i64: 2000, 128>}]} {
    %get3A = arith.constant 0 : index
    %get3A_0 = arith.constant 0 : index
    %get3A_1 = arith.constant 0 : index
    %get3A_2 = vector.load %arg1[%get3A, %get3A_0, %get3A_1] : memref<2x2000x128xf32, #tpu.memory_space<vmem>>, vector<1x2000x128xf32>
    %get3A_3 = vector.shape_cast %get3A_2 : vector<1x2000x128xf32> to vector<2000x128xf32>
    %get3A_4 = arith.constant 1 : index
    %get3A_5 = arith.constant 0 : index
    %get3A_6 = arith.constant 0 : index
    %get3A_7 = vector.load %arg1[%get3A_4, %get3A_5, %get3A_6] : memref<2x2000x128xf32, #tpu.memory_space<vmem>>, vector<1x2000x128xf32>
    %get3A_8 = vector.shape_cast %get3A_7 : vector<1x2000x128xf32> to vector<2000x128xf32>
    %add3A = arith.addf %get3A_3, %get3A_8 : vector<2000x128xf32>
    %get3A_9 = arith.constant 0 : index
    %get3A_10 = arith.constant 0 : index
    %get3A_11 = vector.load %arg2[%get3A_9, %get3A_10] : memref<2000x128xf32, #tpu.memory_space<vmem>>, vector<2000x128xf32>
    %add3A_12 = arith.addf %add3A, %get3A_11 : vector<2000x128xf32>
    %swap3A = arith.constant 0 : index
    %swap3A_13 = arith.constant 0 : index
    %swap3A_14 = vector.load %arg3[%swap3A, %swap3A_13] : memref<2000x128xf32, #tpu.memory_space<vmem>>, vector<2000x128xf32>
    tpu.vector_store %arg3[%swap3A, %swap3A_13], %add3A_12 {strides = array<i32>} : memref<2000x128xf32, #tpu.memory_space<vmem>>, vector<2000x128xf32>,
    return
  }
  func.func @transform_0(%arg0: i32) -> (i32, i32, i32) {
    %c0_i32 = arith.constant 0 : i32
    %c0_i32_0 = arith.constant 0 : i32
    %c0_i32_1 = arith.constant 0 : i32
    return %c0_i32, %arg0, %c0_i32_0 : i32, i32, i32
  }
  func.func @transform_1(%arg0: i32) -> (i32, i32) {
    %c0_i32 = arith.constant 0 : i32
    %c0_i32_0 = arith.constant 0 : i32
    return %arg0, %c0_i32 : i32, i32
  }
  func.func @transform_2(%arg0: i32) -> (i32, i32) {
    %c0_i32 = arith.constant 0 : i32
    %c0_i32_0 = arith.constant 0 : i32
    return %arg0, %c0_i32 : i32, i32
  }
}

</mosaic_0001>

<sc_bundles>
// kernel: kernel.10.cloned.1.call-start
scs
__scs_entry_jumppad:
0x0: {  	(pc) =	sbr.rel $0x88, $3  }
0x1: {  	(tag) =	ssettag $0x0;
	lr =	simm.s32 $0x1  }
0x2: {  	[smem:$0x3F98] =	sst lr;
	_ =	strace $0xD0000000  }
0x3: {  	_ = 	snop  }
0x4: {  	_ = 	snop  }
0x5: {  	_ = 	snop  }
0x6: {  	_ = 	snop  }
0x7: {  	_ = 	snop  }
__scs_overlays_trampoline_lowered:
0x8: {  	[smem:$0x3FA7] =	sst s0  }
0x9: {  	[smem:$0x3FA8] =	sst s1  }
0xa: {  	[smem:$0x3FA9] =	sst s2  }
0xb: {  	[smem:$0x3FAA] =	sst s3  }
0xc: {  	[smem:$0x3FAB] =	sst s4  }
0xd: {  	[smem:$0x3FAC] =	sst s5  }
0xe: {  	[smem:$0x3FAD] =	sst s6  }
0xf: {  	[smem:$0x3FAE] =	sst s7  }
0x10: {  	[smem:$0x3FAF] =	sst s8  }
0x11: {  	[smem:$0x3FB0] =	sst s9;
	s0 =	simm.s32 @!p0 $0x0  }
0x12: {  	s1 =	sld [smem:$0x3F96];
	s0 =	simm.s32 @p0 $0x1  }
0x13: {  	[smem:$0x3FB1] =	sst s0;
	s0 =	simm.s32 @!p1 $0x0  }
0x14: {  	s2 =	sld [smem:$0x3F95];
	s0 =	simm.s32 @p1 $0x1  }
0x15: {  	[smem:$0x3FB2] =	sst s0;
	s0 =	simm.s32 @!p2 $0x0  }
0x16: {  	s3 =	sld [smem:$0x3FDB];
	s0 =	simm.s32 @p2 $0x1  }
0x17: {  	s4 =	simm.s32 $0x1BF5;
	[smem:$0x3FB4] =	sst s0  }
0x18: {  	s0 =	sld [smem:$0x3F97];
	_ =	swait.ge [sflag:s4], $0x0  }
0x19: {  	s7 =	sld [smem:$0x3F98]  }
0x1a: {  	s8 =	sadd.s32 $0xFFFFE003, lr  }
0x1b: {  	s9 =	sadd.s32 $0xFFFFFEF7, lr;
	s5 =	simm.s32 $0xFFFFFFFF;
	p2 =	slt.u32 s8, $0xFFFFF086  }
0x1c: {  	p1 =	slt.u32 s9, $0xF7A;
	s5 =	simm.s32 @!p2 $0x0  }
0x1d: {  	s5 =	simm.s32 @p1 $0x1;
	p0 =	seq.s32 s7, s2  }
0x1e: {  	s7 =	smul.u32 @!p0 $0xF7A, s2;
	p2 =	seq.s32 @!p0 s5, $0x0  }
0x1f: {  	s9 =	smul.u32 $0xF7A, s1;
	s8 =	simm.s32 @!p0 $0x1BF5;
	p2 =	por !p2, p0  }
0x20: {  	[sflag:s8] =	ssyncset.s32 @!p0 $0xFFFFF086;
	s6 =	sadd.s32 @!p0 s3, s7;
	s7 =	simm.s32 @!p0 $0x108  }
0x21: {  	s3 =	sadd.s32 s3, s9;
	s6 =	sadd.s32 @!p0 $0x88, s6;
	s7 =	simm.s32 @p2 $0x1082  }
0x22: {  	[simem:s7], [sflag:s8] =	dma.local @!p0 [hbm:s6], $0xF7A  }
0x23: {  	s9 =	sor.u32 $0xD0000000, s2;
	s6 =	simm.s32 $0x108;
	_ =	swait.ge @!p0 [sflag:s8], $0x0  }
0x24: {  	s3 =	sadd.s32 $0x88, s3;
	s6 =	simm.s32 @!p1 $0x1082;
	[sflag:s4] =	ssyncset.s32 $0xFFFFF086  }
0x25: {  	[simem:s6], [sflag:s4] =	dma.local [hbm:s3], $0xF7A  }
0x26: {  	[smem:$0x3F98] =	sst s1;
	(tag) =	ssettag s2;
	_ =	strace s9  }
0x27: {  	s1 =	sld [smem:$0x3FA8]  }
0x28: {  	s2 =	sld [smem:$0x3FA9]  }
0x29: {  	s4 =	sld [smem:$0x3FAB]  }
0x2a: {  	p0 =	seq.s32 s5, $0x0;
	s5 =	sld [smem:$0x3FAC]  }
0x2b: {  	s6 =	sld [smem:$0x3FAD]  }
0x2c: {  	s7 =	sld [smem:$0x3FAE]  }
0x2d: {  	s3 =	simm.s32 $0x108;
	s8 =	sld [smem:$0x3FAF]  }
0x2e: {  	s3 =	simm.s32 @!p0 $0x1082;
	s9 =	sld [smem:$0x3FB0]  }
0x2f: {  	lr =	sadd.s32 s0, s3;
	s0 =	sld [smem:$0x3FA7]  }
0x30: {  	s3 =	sld [smem:$0x3FAA]  }
0x31: {  	[smem:$0x3FB3] =	sst s10  }
0x32: {  	s10 =	sld [smem:$0x3FB1];
	_ =	sdelay $0x3  }
0x33: {  	p0 =	seq.s32 s10, $0x1;
	s10 =	sld [smem:$0x3FB3];
	_ =	sdelay $0x3  }
0x34: {  	[smem:$0x3FB3] =	sst s10  }
0x35: {  	s10 =	sld [smem:$0x3FB2];
	_ =	sdelay $0x3  }
0x36: {  	p1 =	seq.s32 s10, $0x1;
	s10 =	sld [smem:$0x3FB3];
	_ =	sdelay $0x3  }
0x37: {  	[smem:$0x3FB3] =	sst s10  }
0x38: {  	s10 =	sld [smem:$0x3FB4]  }
0x39: {  	_ = 	snop;
	(pc) =	sbr.ind lr, $3  }
0x3a: {  	_ = 	snop  }
0x3b: {  	_ = 	snop  }
0x3c: {  	p2 =	seq.s32 s10, $0x1;
	s10 =	sld [smem:$0x3FB3]  }
0x3d: {  	_ =	shalt  }
0x3e: {  	_ =	shalt  }
0x3f: {  	_ =	shalt  }
0x40: {  	_ =	shalt  }
0x41: {  	_ =	shalt  }
0x42: {  	_ =	shalt  }
0x43: {  	_ =	shalt  }
0x44: {  	_ =	shalt  }
0x45: {  	_ =	shalt  }
0x46: {  	_ =	shalt  }
0x47: {  	_ =	shalt  }
0x48: {  	_ =	shalt  }
0x49: {  	_ =	shalt  }
0x4a: {  	_ =	shalt  }
0x4b: {  	_ =	shalt  }
0x4c: {  	_ =	shalt  }
0x4d: {  	_ =	shalt  }
0x4e: {  	_ =	shalt  }
0x4f: {  	_ =	shalt  }
0x50: {  	_ =	shalt  }
0x51: {  	_ =	shalt  }
0x52: {  	_ =	shalt  }
0x53: {  	_ =	shalt  }
0x54: {  	_ =	shalt  }
0x55: {  	_ =	shalt  }
0x56: {  	_ =	shalt  }
0x57: {  	_ =	shalt  }
0x58: {  	_ =	shalt  }
0x59: {  	_ =	shalt  }
0x5a: {  	_ =	shalt  }
0x5b: {  	_ =	shalt  }
0x5c: {  	_ =	shalt  }
0x5d: {  	_ =	shalt  }
0x5e: {  	_ =	shalt  }
0x5f: {  	_ =	shalt  }
0x60: {  	_ =	shalt  }
0x61: {  	_ =	shalt  }
0x62: {  	_ =	shalt  }
0x63: {  	_ =	shalt  }
0x64: {  	_ =	shalt  }
0x65: {  	_ =	shalt  }
0x66: {  	_ =	shalt  }
0x67: {  	_ =	shalt  }
0x68: {  	_ =	shalt  }
0x69: {  	_ =	shalt  }
0x6a: {  	_ =	shalt  }
0x6b: {  	_ =	shalt  }
0x6c: {  	_ =	shalt  }
0x6d: {  	_ =	shalt  }
0x6e: {  	_ =	shalt  }
0x6f: {  	_ =	shalt  }
0x70: {  	_ =	shalt  }
0x71: {  	_ =	shalt  }
0x72: {  	_ =	shalt  }
0x73: {  	_ =	shalt  }
0x74: {  	_ =	shalt  }
0x75: {  	_ =	shalt  }
0x76: {  	_ =	shalt  }
0x77: {  	_ =	shalt  }
0x78: {  	_ =	shalt  }
0x79: {  	_ =	shalt  }
0x7a: {  	_ =	shalt  }
0x7b: {  	_ =	shalt  }
0x7c: {  	_ =	shalt  }
0x7d: {  	_ =	shalt  }
0x7e: {  	_ =	shalt  }
0x7f: {  	_ =	shalt  }
0x80: {  	_ =	shalt  }
0x81: {  	_ =	shalt  }
0x82: {  	_ =	shalt  }
0x83: {  	_ =	shalt  }
0x84: {  	_ =	shalt  }
0x85: {  	_ =	shalt  }
0x86: {  	_ =	shalt  }
0x87: {  	_ =	shalt  }
.Lfunc_end0:
.L_simem_size_0:
called_computation.1_lowered:
.L_overlay_start_0:
0x88: {  	s2 =	sld [smem:$0x3FD9]  }
0x89: {  	s3 =	sld [smem:$0x3FFE];
	_ =	sdelay $0x1  }
0x8a: {  	s1 =	srdreg.scid  }
0x8b: {  	s0 =	sand.u32 $0x1, s1  }
0x8c: {  	s17 =	sshll.u32 s0, $0xA;
	s2 =	sadd.s32 s3, s2  }
0x8d: {  	s2 =	sadd.s32 s2, s17  }
0x8e: {  	[smem:$0x3FBF] =	sst s2  }
0x8f: {  	_ = 	snop  }
0x90: {  	s2 =	sld [smem:$0x3FD0];
	(tm) =	ssettm $0x1  }
0x91: {  	s18 =	sld [smem:$0x3FFB];
	_ =	sdelay $0x3  }
0x92: {  	_ =	strace s18  }
0x93: {  	s3 =	sld [smem:$0x3FFC];
	_ =	sdelay $0x3  }
0x94: {  	_ =	strace s3  }
0x95: {  	s3 =	sld [smem:$0x3FFD];
	_ =	sdelay $0x3  }
0x96: {  	_ =	strace s3  }
0x97: {  	_ =	strace $0x8FFFFFFF  }
0x98: {  	s19 =	sld [smem:$0x3FDB];
	_ =	sdelay $0x1  }
0x99: {  	s4 =	simm.s32 $_scs_section_size  }
0x9a: {  	s5 =	simm.s32 $_size__tile_overlayer_lowered;
	s6 =	simm.s32 $_tile_overlayer_lowered  }
0x9b: {  	s22 =	simm.s32 $0x1BFF;
	s21 =	sshll.u32 s6, $0x1;
	s3 =	sadd.s32 s4, s19  }
0x9c: {  	s7 =	simm.s32 $0x0;
	s20 =	sshll.u32 s5, $0x1;
	s5 =	sadd.s32 s21, s3  }
0x9d: {  	[timem:s7], [sflag:s22] =	dma.local [hbm:s5], s20  }
0x9e: {  	_ =	swait.ge [sflag:s22], s20  }
0x9f: {  	s4 =	ssub.s32 $0x0, s20;
	[sflag:s22] =	ssyncset.done $0x0  }
0xa0: {  	[sflag:s22] =	ssyncadd.s32 s4;
	_ =	sdelay $0x1  }
0xa1: {  	s23 =	simm.s32 $0x1B8B  }
0xa2: {  	_ =	swait.ge [sflag:s23], $0x1  }
0xa3: {  	[sflag:s23] =	ssyncset.done $0x0  }
0xa4: {  	s25 =	simm.s32 $0x1B8E;
	s24 =	sld [smem:$0x3FFE];
	[sflag:s23] =	ssyncadd.s32 $0xFFFFFFFF  }
0xa5: {  	s26 =	simm.s32 $execute0_lowered;
	[smem:$0x3FD2] =	sst s25  }
0xa6: {  	s5 =	sshll.u32 s26, $0x1;
	_ =	strace $0x80000049;
	[dreg:$0x1] =	wrdreg $0xFFFFFFFF  }
0xa7: {  	s28 =	simm.s32 $_size_execute0_lowered;
	s3 =	sadd.s32 s3, s5;
	[dreg:$0x0] =	wrdreg $0x0  }
0xa8: {  	s5 =	sshll.u32 s28, $0x1;
	[dreg:$0x2] =	wrdreg s3  }
0xa9: {  	[dreg:$0x3] =	wrdreg s5  }
0xaa: {  	[dreg:$0x4] =	wrdreg $0xC0  }
0xab: {  	_ =	task [dreg:s7], $0x5FFFF  }
0xac: {  	[dreg:$0x1] =	wrdreg $0xFFFFFFFF  }
0xad: {  	[dreg:$0x0] =	wrdreg $0x60  }
0xae: {  	[dreg:$0x2] =	wrdreg s2  }
0xaf: {  	[dreg:$0x3] =	wrdreg s24  }
0xb0: {  	[dreg:$0x4] =	wrdreg $0xA4000  }
0xb1: {  	[dreg:$0x5] =	wrdreg $0x9  }
0xb2: {  	_ =	task.clear_ibuf [dreg:s7], $0x6FFFF;
	_ =	strace $0x90000049  }
0xb3: {  	s29 =	simm.s32 $0x9;
	_ =	strace $0x8000004B  }
0xb4: {  	_ =	swait.ge [sflag:s29], $0x1  }
0xb5: {  	[sflag:s29] =	ssyncadd.s32 $0xFFFFFFFF  }
0xb6: {  	_ =	strace $0x9000004B  }
0xb7: {  	_ =	sfence  }
0xb8: {  	s30 =	sld [smem:$0x0];
	_ =	sdelay $0x2  }
0xb9: {  	s31 =	sshll.u32 s1, $0xD;
	s1 =	sshrl.u32 s1, $0x2  }
0xba: {  	s3 =	sand.u32 $0x4000, s31;
	s1 =	sadd.s32 s1, s30  }
0xbb: {  	s0 =	sor.u32 s3, s0;
	s1 =	sshll.u32 s1, $0x11  }
0xbc: {  	s0 =	sor.u32 s1, s0  }
0xbd: {  	s0 =	sadd.s32 $0x8F2B, s0  }
0xbe: {  	[sflag:s0] =	ssyncadd.remote.s32 $0x1  }
0xbf: {  	_ =	sfence.sel $0xFFFF  }
0xc0: {  	[dreg:$0x0] =	wrdreg $0xFFFFFFFF;
	(pc) =	sbr.abs _section_cstart, $3  }
0xc1: {  	[dreg:$0x1] =	wrdreg $0xFFFFFFFF  }
0xc2: {  	_ =	task.clear_ibuf [dreg:s7], $0x2FFFF;
	_ =	strace $0x9FFFFFFF  }
0xc3: {  	(tm) =	ssettm $0x7FFFFFFF  }
tec
execute0_lowered:
.L_overlay_start_1:
0x0: {  	(tag) =	ssettag $0x1  }
0x1: {  	s0 =	rddreg [dreg:$0x0]  }
0x2: {  	s7 =	rddreg [dreg:$0x1];
	s1 =	srdreg.scid  }
0x3: {  	s3 =	rddreg [dreg:$0x2];
	s2 =	stileid.u32;
	s4 =	simm.s32 $0x0  }
0x4: {  	s18 =	simm.s32 $0x80;
	s19 =	simm.s32 $0x400;
	s8 =	smul.u32 $0x2800, s2  }
0x5: {  	s20 =	simm.s32 $0x5000;
	s6 =	sand.u32 $0x1, s1;
	s23 =	smul.u32 $0x13800, s2  }
0x6: {  	s10 =	sshrl.u32 s2, $0x3;
	[smem:$0x7FF] =	sst s4;
	s26 =	smul.u32 $0x4E000, s2  }
0x7: {  	s11 =	sshll.u32 s2, $0x7;
	s14 =	sadd.s32 $0x41A00, s7;
	s5 =	smul.u32 $0x28000, s6  }
0x8: {  	s30 =	sshll.u32 s2, $0x6;
	s16 =	sadd.s32 $0x138000, s3;
	s9 =	smul.u32 $0x14000, s6  }
0x9: {  	p0 =	sne.s32 s2, $0xF;
	s10 =	smul.u32 $0xA000, s10;
	_ =	strace $0x8000004A  }
0xa: {  	s22 =	sand.u32 $0x380, s11;
	s12 =	ssub.s32 $0x2, s6;
	s31 =	smul.u32 $0x138800, s6  }
0xb: {  	s6 =	sor.u32 $0x1C02, s30;
	s16 =	sshrl.u32 @!p0 s16, $0x3;
	s29 =	sshrl.u32 s23, $0x3  }
0xc: {  	s13 =	sshrl.u32 s12, $0x1;
	s5 =	sadd.s32 s8, s5;
	s21 =	sadd.s32 s9, s10  }
0xd: {  	s13 =	ssub.s32 s12, s13;
	s17 =	sadd.s32 s23, s31;
	s12 =	sshrl.u32 s31, $0x3  }
0xe: {  	s23 =	simm.s32 $0x0;
	s5 =	sshrl.u32 s5, $0x3;
	s8 =	sor.u32 s22, s21  }
0xf: {  	s17 =	sshrl.u32 s17, $0x3;
	s12 =	sadd.s32 s14, s12;
	s13 =	smax.u32 s13, $0x1  }
0x10: {  	s21 =	simm.s32 $0x6400;
	s22 =	simm.s32 $0x1;
	s24 =	sadd.s32 s5, s7  }
0x11: {  	s25 =	sshrl.u32 s8, $0x3;
	s5 =	sadd.s32 s29, s7;
	s8 =	sshrl.u32 s26, $0x2  }
0x12: {  	s11 =	sadd.s32 s14, s17;
	s12 =	sadd.s32 $0x27000, s12;
	s17 =	simm.s32 $0x2800  }
0x13: {  	s28 =	sadd.s32 s25, s7;
	s15 =	sadd.s32 s8, s3;
	s5 =	sadd.s32 $0x1A800, s5  }
0x14: {  	s7 =	sadd.s32 $0x41800, s7;
	s8 =	sadd.s32 $0x6800, s24;
	s9 =	sadd.s32 $0x10800, s24  }
0x15: {  	s10 =	sadd.s32 $0x1800, s28;
	s14 =	sshrl.u32 s15, $0x3;
	s15 =	simm.s32 $0x2  }
.LBB2_1:
0x16: {  	[spmem:s14], [sflag:s6] =	dma.local [hbm:s5], $0x2700  }
0x17: {  	_ =	swait.ge [sflag:s15], $0x2700  }
0x18: {  	[sflag:s15] =	ssyncset.done $0x0  }
0x19: {  	s24 =	simm.s32 @!p0 $0x2;
	[sflag:s15] =	ssyncadd.s32 $0xFFFFD900  }
0x1a: {  	[spmem:s16], [sflag:s6] =	dma.local @!p0 [hbm:s7], $0x100  }
0x1b: {  	_ =	swait.ge @!p0 [sflag:s24], $0x100  }
0x1c: {  	[sflag:s24] =	ssyncset.done @!p0 $0x0  }
0x1d: {  	[sflag:s24] =	ssyncadd.s32 @!p0 $0xFFFFFF00  }
0x1e: {  	[bflag:$0x0] =	sbarrier.arrive $0xFFFF  }
0x1f: {  	[tilespmem:s4], [sflag:$0x2] =	stream.linear.gather [hbm4b:s8+s4], $0x2780, $0x38;
	[tilespmem:$0x1DC80] =	vst v63  }
0x20: {  	_ =	swait.ge [sflag:s15], $0x2780  }
0x21: {  	[sflag:s15] =	ssyncset.done $0x0  }
0x22: {  	[sflag:s15] =	ssyncadd.s32 $0xFFFFD880  }
0x23: {  	[tilespmem:s17], [sflag:$0x2] =	stream.linear.gather [hbm4b:s9+s4], $0x2780, $0x38;
	[tilespmem:$0x1DC80] =	vst v63  }
0x24: {  	_ =	swait.ge [sflag:s15], $0x2780  }
0x25: {  	[sflag:s15] =	ssyncset.done $0x0  }
0x26: {  	[sflag:s15] =	ssyncadd.s32 $0xFFFFD880  }
0x27: {  	[tilespmem:s20], [sflag:$0x2] =	stream.strided.gather [hbm4b:s10+s18], $0x1400, s19, s18, $0x38;
	[tilespmem:$0x1DC80] =	vst v63  }
0x28: {  	_ =	swait.ge [sflag:s15], $0x1400  }
0x29: {  	[sflag:s15] =	ssyncset.done $0x0  }
0x2a: {  	s24 =	simm.s32 $0x0;
	[sflag:s15] =	ssyncadd.s32 $0xFFFFEC00  }
.LBB2_2:
0x2b: {  	s28 =	sshll.u32 s24, $0x6  }
0x2c: {  	s25 =	sshll.u32 s24, $0x7;
	s26 =	sadd.s32 $0x0, s28  }
0x2d: {  	[tilespmem:s21], [sflag:$0x1] =	stream.indirect.gather [hbm4b:s0+s18], $0x80, s25, s18, $0xb8;
	v0 =	vmov s26;
	[tilespmem:$0x1DC80] =	vst v63  }
0x2e: {  	_ =	swait.ge [sflag:s22], $0x4000  }
0x2f: {  	[sflag:s22] =	ssyncset.done $0x0  }
0x30: {  	s26 =	simm.s32 $0x6440;
	[sflag:s22] =	ssyncadd.s32 $0xFFFFC000  }
0x31: {  	v4 =	vld [tilespmem:s26+$0x30]  }
0x32: {  	v1 =	vld.idx.msk [tilespmem:v0+s20+$0x0], $0xffff  }
0x33: {  	v7 =	vld [tilespmem:s26+$0x10]  }
0x34: {  	v5 =	vld [tilespmem:s26+$0xFFFFFFC0]  }
0x35: {  	s29 =	simm.s32 $0x0;
	v9 =	vld [tilespmem:s26+$0xFFFFFFE0]  }
0x36: {  	s29 =	sand.u32 $0x1, s29;
	v2 =	vld [tilespmem:s26+$0x20]  }
0x37: {  	p1 =	seq.s32 s29, $0x1;
	v0 =	vld [tilespmem:s26+$0xFFFFFFF0];
	v3 =	vshll.u32 v1, $0x10;
	v1 =	vand.u32 $0xFFFF0000, v1  }
0x38: {  	v1 =	vpsel p1, v1, v3;
	v3 =	vld [tilespmem:s26+$0xFFFFFFD0]  }
0x39: {  	v8 =	vmul.f32 v1, v4;
	v4 =	vld [tilespmem:s26+$0x0]  }
0x3a: {  	v6 =	vmul.f32 v1, v5  }
0x3b: {  	s30 =	simm.s32 $0x6440;
	s29 =	simm.s32 $0x1;
	v5 =	vmul.f32 v1, v9;
	v7 =	vmul.f32 v1, v7  }
.LBB2_3:
0x3c: {  	p1 =	sne.s32 s29, $0x7F  }
0x3d: {  	v3 =	vmul.f32 v1, v3;
	v2 =	vmul.f32 v1, v2;
	[tilespmem:s26+$0x30] =	vst v8;
	s30 =	sadd.s32 $0x80, s30;
	s31 =	smov.u32 s29;
	s29 =	sadd.s32 $0x1, s29  }
0x3e: {  	v0 =	vmul.f32 v1, v0;
	s1 =	sshrl.u32 s31, $0x1;
	[tilespmem:s26+$0xFFFFFFC0] =	vst v6;
	v1 =	vmul.f32 v1, v4  }
0x3f: {  	s1 =	sadd.s32 s28, s1;
	[tilespmem:s26+$0x10] =	vst v7  }
0x40: {  	v4 =	vmov s1;
	[tilespmem:s26+$0xFFFFFFE0] =	vst v5  }
0x41: {  	[tilespmem:s26+$0xFFFFFFF0] =	vst v0  }
0x42: {  	[tilespmem:s26+$0x0] =	vst v1  }
0x43: {  	v0 =	vld [tilespmem:s30+$0xFFFFFFF0];
	[tilespmem:s26+$0x20] =	vst v2  }
0x44: {  	v5 =	vld [tilespmem:s30+$0x30];
	[tilespmem:s26+$0xFFFFFFD0] =	vst v3;
	s26 =	smov.u32 s30  }
0x45: {  	v1 =	vld.idx.msk [tilespmem:v4+s20+$0x0], $0xffff  }
0x46: {  	v7 =	vld [tilespmem:s30+$0x10]  }
0x47: {  	v6 =	vld [tilespmem:s30+$0xFFFFFFC0]  }
0x48: {  	v9 =	vld [tilespmem:s30+$0xFFFFFFE0]  }
0x49: {  	v2 =	vld [tilespmem:s30+$0x20]  }
.Ltmp0:
0x4a: {  	s1 =	sand.u32 $0x1, s31;
	v3 =	vld [tilespmem:s30+$0xFFFFFFD0];
	(pc) =	sbr.rel @p1 .LBB2_3-.Ltmp0, $4  }
0x4b: {  	p2 =	seq.s32 s1, $0x1;
	v8 =	vshll.u32 v1, $0x10;
	v1 =	vand.u32 $0xFFFF0000, v1;
	v4 =	vld [tilespmem:s30+$0x0]  }
0x4c: {  	v1 =	vpsel p2, v1, v8  }
0x4d: {  	v6 =	vmul.f32 v1, v6;
	v8 =	vmul.f32 v1, v5  }
0x4e: {  	v7 =	vmul.f32 v1, v7;
	v5 =	vmul.f32 v1, v9  }
0x4f: {  	[tilespmem:s26+$0x30] =	vst v8  }
0x50: {  	[tilespmem:s26+$0xFFFFFFC0] =	vst v6  }
0x51: {  	v0 =	vmul.f32 v1, v0;
	[tilespmem:s26+$0x10] =	vst v7  }
0x52: {  	v2 =	vmul.f32 v1, v2;
	[tilespmem:s26+$0xFFFFFFE0] =	vst v5  }
0x53: {  	v63 =	vmul.f32 v1, v3;
	[tilespmem:s26+$0xFFFFFFF0] =	vst v0  }
0x54: {  	s24 =	sadd.s32 $0x1, s24;
	v4 =	vmul.f32 v1, v4;
	[tilespmem:s26+$0x20] =	vst v2  }
0x55: {  	p1 =	sne.s32 s24, $0x4F;
	[tilespmem:s26+$0xFFFFFFD0] =	vst v63  }
.Ltmp1:
0x56: {  	s1 =	sadd.s32 $0x2800, s25;
	[tilespmem:s26+$0x0] =	vst v4;
	(pc) =	sbr.rel @p1 .LBB2_2-.Ltmp1, $4  }
0x57: {  	[spmem:s3] =	stream.indirect.scatter.add.f32 [tilespmem:s21], [sflag:$0x2], $0x80, s1, s18, $0xb8;
	[tilespmem:$0x1DC80] =	vst v63  }
0x58: {  	_ =	swait.ge [sflag:s15], $0x4000  }
0x59: {  	[sflag:s15] =	ssyncset.done $0x0  }
0x5a: {  	[sflag:s15] =	ssyncadd.s32 $0xFFFFC000  }
0x5b: {  	[bflag:$0x0] =	sbarrier.arrive $0xFFFF  }
0x5c: {  	[hbm:s11], [sflag:s6] =	dma.local [spmem:s14], $0x2700  }
0x5d: {  	s23 =	sadd.s32 $0x1, s23;
	_ =	swait.ge [sflag:s15], $0x2700  }
0x5e: {  	p1 =	sne.s32 s23, s13;
	[sflag:s15] =	ssyncset.done $0x0  }
.Ltmp2:
0x5f: {  	s1 =	simm.s32 @!p0 $0x2;
	[sflag:s15] =	ssyncadd.s32 $0xFFFFD900;
	(pc) =	sbr.rel @p1 .LBB2_1-.Ltmp2, $4  }
0x60: {  	[hbm:s12], [sflag:s6] =	dma.local @!p0 [spmem:s16], $0x100  }
0x61: {  	_ =	swait.ge @!p0 [sflag:s1], $0x100  }
0x62: {  	[sflag:s1] =	ssyncset.done @!p0 $0x0  }
0x63: {  	[sflag:s1] =	ssyncadd.s32 @!p0 $0xFFFFFF00  }
0x64: {  	_ =	sfence.sel $0x180000  }
0x65: {  	[bflag:$0x0] =	sbarrier.arrive $0xFFFF  }
0x66: {  	_ =	strace $0x9000004A  }
0x67: {  	[bflag:$0x2] =	sbarrier.arrive $0xFFFF  }
0x68: {  	p0 =	sne.s32 s2, $0x0;
	s0 =	rddreg [dreg:$0x3]  }
0x69: {  	s0 =	sadd.s32 @!p0 $0x100000, s0  }
0x6a: {  	[sflag:s0] =	ssyncadd.tile.s32 @!p0 $0x1;
	_ =	shalt  }
.Lfunc_end2:
_tile_overlayer_lowered:
.L_overlay_start_2:
0x6b: {  	(tag) =	ssettag $0x2  }
0x6c: {  	s0 =	rddreg [dreg:$0x0];
	s2 =	stileid.u32  }
0x6d: {  	s1 =	rddreg [dreg:$0x1];
	p0 =	sne.s32 s2, $0x0  }
0x6e: {  	s3 =	rddreg [dreg:$0x2];
	[bflag:$0x3] =	sbarrier.arrive $0xFFFF;
	s2 =	simm.s32 @!p0 $0x1C02  }
0x6f: {  	[timem:s3], [sflag:s2] =	dma.local @!p0 [hbm:s0], s1  }
0x70: {  	s0 =	simm.s32 @!p0 $0x2  }
0x71: {  	_ =	swait.ge @!p0 [sflag:s0], s1  }
0x72: {  	s1 =	ssub.s32 @!p0 $0x0, s1;
	[sflag:s0] =	ssyncset.done @!p0 $0x0  }
0x73: {  	[sflag:s0] =	ssyncadd.s32 @!p0 s1  }
0x74: {  	[bflag:$0x3] =	sbarrier.arrive $0xFFFF  }
0x75: {  	_ =	shalt  }

// kernel: kernel.7.cloned.1.call-start
scs
__scs_entry_jumppad:
0x0: {  	(pc) =	sbr.rel $0x88, $3  }
0x1: {  	(tag) =	ssettag $0x0;
	lr =	simm.s32 $0x1  }
0x2: {  	[smem:$0x3F98] =	sst lr;
	_ =	strace $0xD0000000  }
0x3: {  	_ = 	snop  }
0x4: {  	_ = 	snop  }
0x5: {  	_ = 	snop  }
0x6: {  	_ = 	snop  }
0x7: {  	_ = 	snop  }
__scs_overlays_trampoline_lowered:
0x8: {  	[smem:$0x3FA7] =	sst s0  }
0x9: {  	[smem:$0x3FA8] =	sst s1  }
0xa: {  	[smem:$0x3FA9] =	sst s2  }
0xb: {  	[smem:$0x3FAA] =	sst s3  }
0xc: {  	[smem:$0x3FAB] =	sst s4  }
0xd: {  	[smem:$0x3FAC] =	sst s5  }
0xe: {  	[smem:$0x3FAD] =	sst s6  }
0xf: {  	[smem:$0x3FAE] =	sst s7  }
0x10: {  	[smem:$0x3FAF] =	sst s8  }
0x11: {  	[smem:$0x3FB0] =	sst s9;
	s0 =	simm.s32 @!p0 $0x0  }
0x12: {  	s1 =	sld [smem:$0x3F96];
	s0 =	simm.s32 @p0 $0x1  }
0x13: {  	[smem:$0x3FB1] =	sst s0;
	s0 =	simm.s32 @!p1 $0x0  }
0x14: {  	s2 =	sld [smem:$0x3F95];
	s0 =	simm.s32 @p1 $0x1  }
0x15: {  	[smem:$0x3FB2] =	sst s0;
	s0 =	simm.s32 @!p2 $0x0  }
0x16: {  	s3 =	sld [smem:$0x3FDB];
	s0 =	simm.s32 @p2 $0x1  }
0x17: {  	s4 =	simm.s32 $0x1BF5;
	[smem:$0x3FB4] =	sst s0  }
0x18: {  	s0 =	sld [smem:$0x3F97];
	_ =	swait.ge [sflag:s4], $0x0  }
0x19: {  	s7 =	sld [smem:$0x3F98]  }
0x1a: {  	s8 =	sadd.s32 $0xFFFFE003, lr  }
0x1b: {  	s9 =	sadd.s32 $0xFFFFFEF7, lr;
	s5 =	simm.s32 $0xFFFFFFFF;
	p2 =	slt.u32 s8, $0xFFFFF086  }
0x1c: {  	p1 =	slt.u32 s9, $0xF7A;
	s5 =	simm.s32 @!p2 $0x0  }
0x1d: {  	s5 =	simm.s32 @p1 $0x1;
	p0 =	seq.s32 s7, s2  }
0x1e: {  	s7 =	smul.u32 @!p0 $0xF7A, s2;
	p2 =	seq.s32 @!p0 s5, $0x0  }
0x1f: {  	s9 =	smul.u32 $0xF7A, s1;
	s8 =	simm.s32 @!p0 $0x1BF5;
	p2 =	por !p2, p0  }
0x20: {  	[sflag:s8] =	ssyncset.s32 @!p0 $0xFFFFF086;
	s6 =	sadd.s32 @!p0 s3, s7;
	s7 =	simm.s32 @!p0 $0x108  }
0x21: {  	s3 =	sadd.s32 s3, s9;
	s6 =	sadd.s32 @!p0 $0x88, s6;
	s7 =	simm.s32 @p2 $0x1082  }
0x22: {  	[simem:s7], [sflag:s8] =	dma.local @!p0 [hbm:s6], $0xF7A  }
0x23: {  	s9 =	sor.u32 $0xD0000000, s2;
	s6 =	simm.s32 $0x108;
	_ =	swait.ge @!p0 [sflag:s8], $0x0  }
0x24: {  	s3 =	sadd.s32 $0x88, s3;
	s6 =	simm.s32 @!p1 $0x1082;
	[sflag:s4] =	ssyncset.s32 $0xFFFFF086  }
0x25: {  	[simem:s6], [sflag:s4] =	dma.local [hbm:s3], $0xF7A  }
0x26: {  	[smem:$0x3F98] =	sst s1;
	(tag) =	ssettag s2;
	_ =	strace s9  }
0x27: {  	s1 =	sld [smem:$0x3FA8]  }
0x28: {  	s2 =	sld [smem:$0x3FA9]  }
0x29: {  	s4 =	sld [smem:$0x3FAB]  }
0x2a: {  	p0 =	seq.s32 s5, $0x0;
	s5 =	sld [smem:$0x3FAC]  }
0x2b: {  	s6 =	sld [smem:$0x3FAD]  }
0x2c: {  	s7 =	sld [smem:$0x3FAE]  }
0x2d: {  	s3 =	simm.s32 $0x108;
	s8 =	sld [smem:$0x3FAF]  }
0x2e: {  	s3 =	simm.s32 @!p0 $0x1082;
	s9 =	sld [smem:$0x3FB0]  }
0x2f: {  	lr =	sadd.s32 s0, s3;
	s0 =	sld [smem:$0x3FA7]  }
0x30: {  	s3 =	sld [smem:$0x3FAA]  }
0x31: {  	[smem:$0x3FB3] =	sst s10  }
0x32: {  	s10 =	sld [smem:$0x3FB1];
	_ =	sdelay $0x3  }
0x33: {  	p0 =	seq.s32 s10, $0x1;
	s10 =	sld [smem:$0x3FB3];
	_ =	sdelay $0x3  }
0x34: {  	[smem:$0x3FB3] =	sst s10  }
0x35: {  	s10 =	sld [smem:$0x3FB2];
	_ =	sdelay $0x3  }
0x36: {  	p1 =	seq.s32 s10, $0x1;
	s10 =	sld [smem:$0x3FB3];
	_ =	sdelay $0x3  }
0x37: {  	[smem:$0x3FB3] =	sst s10  }
0x38: {  	s10 =	sld [smem:$0x3FB4]  }
0x39: {  	_ = 	snop;
	(pc) =	sbr.ind lr, $3  }
0x3a: {  	_ = 	snop  }
0x3b: {  	_ = 	snop  }
0x3c: {  	p2 =	seq.s32 s10, $0x1;
	s10 =	sld [smem:$0x3FB3]  }
0x3d: {  	_ =	shalt  }
0x3e: {  	_ =	shalt  }
0x3f: {  	_ =	shalt  }
0x40: {  	_ =	shalt  }
0x41: {  	_ =	shalt  }
0x42: {  	_ =	shalt  }
0x43: {  	_ =	shalt  }
0x44: {  	_ =	shalt  }
0x45: {  	_ =	shalt  }
0x46: {  	_ =	shalt  }
0x47: {  	_ =	shalt  }
0x48: {  	_ =	shalt  }
0x49: {  	_ =	shalt  }
0x4a: {  	_ =	shalt  }
0x4b: {  	_ =	shalt  }
0x4c: {  	_ =	shalt  }
0x4d: {  	_ =	shalt  }
0x4e: {  	_ =	shalt  }
0x4f: {  	_ =	shalt  }
0x50: {  	_ =	shalt  }
0x51: {  	_ =	shalt  }
0x52: {  	_ =	shalt  }
0x53: {  	_ =	shalt  }
0x54: {  	_ =	shalt  }
0x55: {  	_ =	shalt  }
0x56: {  	_ =	shalt  }
0x57: {  	_ =	shalt  }
0x58: {  	_ =	shalt  }
0x59: {  	_ =	shalt  }
0x5a: {  	_ =	shalt  }
0x5b: {  	_ =	shalt  }
0x5c: {  	_ =	shalt  }
0x5d: {  	_ =	shalt  }
0x5e: {  	_ =	shalt  }
0x5f: {  	_ =	shalt  }
0x60: {  	_ =	shalt  }
0x61: {  	_ =	shalt  }
0x62: {  	_ =	shalt  }
0x63: {  	_ =	shalt  }
0x64: {  	_ =	shalt  }
0x65: {  	_ =	shalt  }
0x66: {  	_ =	shalt  }
0x67: {  	_ =	shalt  }
0x68: {  	_ =	shalt  }
0x69: {  	_ =	shalt  }
0x6a: {  	_ =	shalt  }
0x6b: {  	_ =	shalt  }
0x6c: {  	_ =	shalt  }
0x6d: {  	_ =	shalt  }
0x6e: {  	_ =	shalt  }
0x6f: {  	_ =	shalt  }
0x70: {  	_ =	shalt  }
0x71: {  	_ =	shalt  }
0x72: {  	_ =	shalt  }
0x73: {  	_ =	shalt  }
0x74: {  	_ =	shalt  }
0x75: {  	_ =	shalt  }
0x76: {  	_ =	shalt  }
0x77: {  	_ =	shalt  }
0x78: {  	_ =	shalt  }
0x79: {  	_ =	shalt  }
0x7a: {  	_ =	shalt  }
0x7b: {  	_ =	shalt  }
0x7c: {  	_ =	shalt  }
0x7d: {  	_ =	shalt  }
0x7e: {  	_ =	shalt  }
0x7f: {  	_ =	shalt  }
0x80: {  	_ =	shalt  }
0x81: {  	_ =	shalt  }
0x82: {  	_ =	shalt  }
0x83: {  	_ =	shalt  }
0x84: {  	_ =	shalt  }
0x85: {  	_ =	shalt  }
0x86: {  	_ =	shalt  }
0x87: {  	_ =	shalt  }
.Lfunc_end0:
.L_simem_size_0:
called_computation_lowered:
.L_overlay_start_0:
0x88: {  	s2 =	sld [smem:$0x3FD9]  }
0x89: {  	s3 =	sld [smem:$0x3FFE];
	_ =	sdelay $0x1  }
0x8a: {  	s1 =	srdreg.scid  }
0x8b: {  	s0 =	sand.u32 $0x1, s1  }
0x8c: {  	s17 =	sshll.u32 s0, $0xA;
	s2 =	sadd.s32 s3, s2  }
0x8d: {  	s2 =	sadd.s32 s2, s17  }
0x8e: {  	[smem:$0x3FBF] =	sst s2  }
0x8f: {  	_ = 	snop  }
0x90: {  	s2 =	sld [smem:$0x3FD0];
	(tm) =	ssettm $0x1  }
0x91: {  	s18 =	sld [smem:$0x3FFB];
	_ =	sdelay $0x3  }
0x92: {  	_ =	strace s18  }
0x93: {  	s3 =	sld [smem:$0x3FFC];
	_ =	sdelay $0x3  }
0x94: {  	_ =	strace s3  }
0x95: {  	s3 =	sld [smem:$0x3FFD];
	_ =	sdelay $0x3  }
0x96: {  	_ =	strace s3  }
0x97: {  	_ =	strace $0x8FFFFFFF  }
0x98: {  	s19 =	sld [smem:$0x3FDB];
	_ =	sdelay $0x1  }
0x99: {  	s4 =	simm.s32 $_scs_section_size  }
0x9a: {  	s5 =	simm.s32 $_size__tile_overlayer_lowered;
	s6 =	simm.s32 $_tile_overlayer_lowered  }
0x9b: {  	s22 =	simm.s32 $0x1BFF;
	s21 =	sshll.u32 s6, $0x1;
	s3 =	sadd.s32 s4, s19  }
0x9c: {  	s7 =	simm.s32 $0x0;
	s20 =	sshll.u32 s5, $0x1;
	s5 =	sadd.s32 s21, s3  }
0x9d: {  	[timem:s7], [sflag:s22] =	dma.local [hbm:s5], s20  }
0x9e: {  	_ =	swait.ge [sflag:s22], s20  }
0x9f: {  	s4 =	ssub.s32 $0x0, s20;
	[sflag:s22] =	ssyncset.done $0x0  }
0xa0: {  	[sflag:s22] =	ssyncadd.s32 s4;
	_ =	sdelay $0x1  }
0xa1: {  	s23 =	simm.s32 $0x1B8B  }
0xa2: {  	_ =	swait.ge [sflag:s23], $0x1  }
0xa3: {  	[sflag:s23] =	ssyncset.done $0x0  }
0xa4: {  	s25 =	simm.s32 $0x1B8E;
	s24 =	sld [smem:$0x3FFE];
	[sflag:s23] =	ssyncadd.s32 $0xFFFFFFFF  }
0xa5: {  	s26 =	simm.s32 $execute0_lowered;
	[smem:$0x3FD2] =	sst s25  }
0xa6: {  	s5 =	sshll.u32 s26, $0x1;
	_ =	strace $0x80000046;
	[dreg:$0x1] =	wrdreg $0xFFFFFFFF  }
0xa7: {  	s28 =	simm.s32 $_size_execute0_lowered;
	s3 =	sadd.s32 s3, s5;
	[dreg:$0x0] =	wrdreg $0x0  }
0xa8: {  	s5 =	sshll.u32 s28, $0x1;
	[dreg:$0x2] =	wrdreg s3  }
0xa9: {  	[dreg:$0x3] =	wrdreg s5  }
0xaa: {  	[dreg:$0x4] =	wrdreg $0xC0  }
0xab: {  	_ =	task [dreg:s7], $0x5FFFF  }
0xac: {  	[dreg:$0x1] =	wrdreg $0xFFFFFFFF  }
0xad: {  	[dreg:$0x0] =	wrdreg $0x60  }
0xae: {  	[dreg:$0x2] =	wrdreg s2  }
0xaf: {  	[dreg:$0x3] =	wrdreg s24  }
0xb0: {  	[dreg:$0x4] =	wrdreg $0xA4000  }
0xb1: {  	[dreg:$0x5] =	wrdreg $0x9  }
0xb2: {  	_ =	task.clear_ibuf [dreg:s7], $0x6FFFF;
	_ =	strace $0x90000046  }
0xb3: {  	s29 =	simm.s32 $0x9;
	_ =	strace $0x80000048  }
0xb4: {  	_ =	swait.ge [sflag:s29], $0x1  }
0xb5: {  	[sflag:s29] =	ssyncadd.s32 $0xFFFFFFFF  }
0xb6: {  	_ =	strace $0x90000048  }
0xb7: {  	_ =	sfence  }
0xb8: {  	s30 =	sld [smem:$0x0];
	_ =	sdelay $0x2  }
0xb9: {  	s31 =	sshll.u32 s1, $0xD;
	s1 =	sshrl.u32 s1, $0x2  }
0xba: {  	s3 =	sand.u32 $0x4000, s31;
	s1 =	sadd.s32 s1, s30  }
0xbb: {  	s0 =	sor.u32 s3, s0;
	s1 =	sshll.u32 s1, $0x11  }
0xbc: {  	s0 =	sor.u32 s1, s0  }
0xbd: {  	s0 =	sadd.s32 $0x8F2B, s0  }
0xbe: {  	[sflag:s0] =	ssyncadd.remote.s32 $0x1  }
0xbf: {  	_ =	sfence.sel $0xFFFF  }
0xc0: {  	[dreg:$0x0] =	wrdreg $0xFFFFFFFF;
	(pc) =	sbr.abs _section_cstart, $3  }
0xc1: {  	[dreg:$0x1] =	wrdreg $0xFFFFFFFF  }
0xc2: {  	_ =	task.clear_ibuf [dreg:s7], $0x2FFFF;
	_ =	strace $0x9FFFFFFF  }
0xc3: {  	(tm) =	ssettm $0x7FFFFFFF  }
tec
execute0_lowered:
.L_overlay_start_1:
0x0: {  	(tag) =	ssettag $0x1  }
0x1: {  	s0 =	rddreg [dreg:$0x0]  }
0x2: {  	s7 =	rddreg [dreg:$0x1];
	s1 =	srdreg.scid  }
0x3: {  	s3 =	rddreg [dreg:$0x2];
	s2 =	stileid.u32;
	s4 =	simm.s32 $0x0  }
0x4: {  	s18 =	simm.s32 $0x80;
	s19 =	simm.s32 $0x400;
	s8 =	smul.u32 $0x2800, s2  }
0x5: {  	s20 =	simm.s32 $0x5000;
	s6 =	sand.u32 $0x1, s1;
	s23 =	smul.u32 $0x13800, s2  }
0x6: {  	s10 =	sshrl.u32 s2, $0x3;
	[smem:$0x7FF] =	sst s4;
	s26 =	smul.u32 $0x4E000, s2  }
0x7: {  	s11 =	sshll.u32 s2, $0x7;
	s14 =	sadd.s32 $0x41A00, s7;
	s5 =	smul.u32 $0x28000, s6  }
0x8: {  	s30 =	sshll.u32 s2, $0x6;
	s16 =	sadd.s32 $0x138000, s3;
	s9 =	smul.u32 $0x14000, s6  }
0x9: {  	p0 =	sne.s32 s2, $0xF;
	s10 =	smul.u32 $0xA000, s10;
	_ =	strace $0x80000047  }
0xa: {  	s22 =	sand.u32 $0x380, s11;
	s12 =	ssub.s32 $0x2, s6;
	s31 =	smul.u32 $0x138800, s6  }
0xb: {  	s6 =	sor.u32 $0x1C02, s30;
	s16 =	sshrl.u32 @!p0 s16, $0x3;
	s29 =	sshrl.u32 s23, $0x3  }
0xc: {  	s13 =	sshrl.u32 s12, $0x1;
	s5 =	sadd.s32 s8, s5;
	s21 =	sadd.s32 s9, s10  }
0xd: {  	s13 =	ssub.s32 s12, s13;
	s17 =	sadd.s32 s23, s31;
	s12 =	sshrl.u32 s31, $0x3  }
0xe: {  	s23 =	simm.s32 $0x0;
	s5 =	sshrl.u32 s5, $0x3;
	s8 =	sor.u32 s22, s21  }
0xf: {  	s17 =	sshrl.u32 s17, $0x3;
	s12 =	sadd.s32 s14, s12;
	s13 =	smax.u32 s13, $0x1  }
0x10: {  	s21 =	simm.s32 $0x6400;
	s22 =	simm.s32 $0x1;
	s24 =	sadd.s32 s5, s7  }
0x11: {  	s25 =	sshrl.u32 s8, $0x3;
	s5 =	sadd.s32 s29, s7;
	s8 =	sshrl.u32 s26, $0x2  }
0x12: {  	s11 =	sadd.s32 s14, s17;
	s12 =	sadd.s32 $0x27000, s12;
	s17 =	simm.s32 $0x2800  }
0x13: {  	s28 =	sadd.s32 s25, s7;
	s15 =	sadd.s32 s8, s3;
	s5 =	sadd.s32 $0x1A800, s5  }
0x14: {  	s7 =	sadd.s32 $0x41800, s7;
	s8 =	sadd.s32 $0x6800, s24;
	s9 =	sadd.s32 $0x10800, s24  }
0x15: {  	s10 =	sadd.s32 $0x1800, s28;
	s14 =	sshrl.u32 s15, $0x3;
	s15 =	simm.s32 $0x2  }
.LBB2_1:
0x16: {  	[spmem:s14], [sflag:s6] =	dma.local [hbm:s5], $0x2700  }
0x17: {  	_ =	swait.ge [sflag:s15], $0x2700  }
0x18: {  	[sflag:s15] =	ssyncset.done $0x0  }
0x19: {  	s24 =	simm.s32 @!p0 $0x2;
	[sflag:s15] =	ssyncadd.s32 $0xFFFFD900  }
0x1a: {  	[spmem:s16], [sflag:s6] =	dma.local @!p0 [hbm:s7], $0x100  }
0x1b: {  	_ =	swait.ge @!p0 [sflag:s24], $0x100  }
0x1c: {  	[sflag:s24] =	ssyncset.done @!p0 $0x0  }
0x1d: {  	[sflag:s24] =	ssyncadd.s32 @!p0 $0xFFFFFF00  }
0x1e: {  	[bflag:$0x0] =	sbarrier.arrive $0xFFFF  }
0x1f: {  	[tilespmem:s4], [sflag:$0x2] =	stream.linear.gather [hbm4b:s8+s4], $0x2780, $0x38;
	[tilespmem:$0x1DC80] =	vst v63  }
0x20: {  	_ =	swait.ge [sflag:s15], $0x2780  }
0x21: {  	[sflag:s15] =	ssyncset.done $0x0  }
0x22: {  	[sflag:s15] =	ssyncadd.s32 $0xFFFFD880  }
0x23: {  	[tilespmem:s17], [sflag:$0x2] =	stream.linear.gather [hbm4b:s9+s4], $0x2780, $0x38;
	[tilespmem:$0x1DC80] =	vst v63  }
0x24: {  	_ =	swait.ge [sflag:s15], $0x2780  }
0x25: {  	[sflag:s15] =	ssyncset.done $0x0  }
0x26: {  	[sflag:s15] =	ssyncadd.s32 $0xFFFFD880  }
0x27: {  	[tilespmem:s20], [sflag:$0x2] =	stream.strided.gather [hbm4b:s10+s18], $0x1400, s19, s18, $0x38;
	[tilespmem:$0x1DC80] =	vst v63  }
0x28: {  	_ =	swait.ge [sflag:s15], $0x1400  }
0x29: {  	[sflag:s15] =	ssyncset.done $0x0  }
0x2a: {  	s24 =	simm.s32 $0x0;
	[sflag:s15] =	ssyncadd.s32 $0xFFFFEC00  }
.LBB2_2:
0x2b: {  	s28 =	sshll.u32 s24, $0x6  }
0x2c: {  	s25 =	sshll.u32 s24, $0x7;
	s26 =	sadd.s32 $0x0, s28  }
0x2d: {  	[tilespmem:s21], [sflag:$0x1] =	stream.indirect.gather [hbm4b:s0+s18], $0x80, s25, s18, $0xb8;
	v0 =	vmov s26;
	[tilespmem:$0x1DC80] =	vst v63  }
0x2e: {  	_ =	swait.ge [sflag:s22], $0x4000  }
0x2f: {  	[sflag:s22] =	ssyncset.done $0x0  }
0x30: {  	s26 =	simm.s32 $0x6440;
	[sflag:s22] =	ssyncadd.s32 $0xFFFFC000  }
0x31: {  	v4 =	vld [tilespmem:s26+$0x30]  }
0x32: {  	v1 =	vld.idx.msk [tilespmem:v0+s20+$0x0], $0xffff  }
0x33: {  	v7 =	vld [tilespmem:s26+$0x10]  }
0x34: {  	v5 =	vld [tilespmem:s26+$0xFFFFFFC0]  }
0x35: {  	s29 =	simm.s32 $0x0;
	v9 =	vld [tilespmem:s26+$0xFFFFFFE0]  }
0x36: {  	s29 =	sand.u32 $0x1, s29;
	v2 =	vld [tilespmem:s26+$0x20]  }
0x37: {  	p1 =	seq.s32 s29, $0x1;
	v0 =	vld [tilespmem:s26+$0xFFFFFFF0];
	v3 =	vshll.u32 v1, $0x10;
	v1 =	vand.u32 $0xFFFF0000, v1  }
0x38: {  	v1 =	vpsel p1, v1, v3;
	v3 =	vld [tilespmem:s26+$0xFFFFFFD0]  }
0x39: {  	v8 =	vmul.f32 v1, v4;
	v4 =	vld [tilespmem:s26+$0x0]  }
0x3a: {  	v6 =	vmul.f32 v1, v5  }
0x3b: {  	s30 =	simm.s32 $0x6440;
	s29 =	simm.s32 $0x1;
	v5 =	vmul.f32 v1, v9;
	v7 =	vmul.f32 v1, v7  }
.LBB2_3:
0x3c: {  	p1 =	sne.s32 s29, $0x7F  }
0x3d: {  	v3 =	vmul.f32 v1, v3;
	v2 =	vmul.f32 v1, v2;
	[tilespmem:s26+$0x30] =	vst v8;
	s30 =	sadd.s32 $0x80, s30;
	s31 =	smov.u32 s29;
	s29 =	sadd.s32 $0x1, s29  }
0x3e: {  	v0 =	vmul.f32 v1, v0;
	s1 =	sshrl.u32 s31, $0x1;
	[tilespmem:s26+$0xFFFFFFC0] =	vst v6;
	v1 =	vmul.f32 v1, v4  }
0x3f: {  	s1 =	sadd.s32 s28, s1;
	[tilespmem:s26+$0x10] =	vst v7  }
0x40: {  	v4 =	vmov s1;
	[tilespmem:s26+$0xFFFFFFE0] =	vst v5  }
0x41: {  	[tilespmem:s26+$0xFFFFFFF0] =	vst v0  }
0x42: {  	[tilespmem:s26+$0x0] =	vst v1  }
0x43: {  	v0 =	vld [tilespmem:s30+$0xFFFFFFF0];
	[tilespmem:s26+$0x20] =	vst v2  }
0x44: {  	v5 =	vld [tilespmem:s30+$0x30];
	[tilespmem:s26+$0xFFFFFFD0] =	vst v3;
	s26 =	smov.u32 s30  }
0x45: {  	v1 =	vld.idx.msk [tilespmem:v4+s20+$0x0], $0xffff  }
0x46: {  	v7 =	vld [tilespmem:s30+$0x10]  }
0x47: {  	v6 =	vld [tilespmem:s30+$0xFFFFFFC0]  }
0x48: {  	v9 =	vld [tilespmem:s30+$0xFFFFFFE0]  }
0x49: {  	v2 =	vld [tilespmem:s30+$0x20]  }
.Ltmp0:
0x4a: {  	s1 =	sand.u32 $0x1, s31;
	v3 =	vld [tilespmem:s30+$0xFFFFFFD0];
	(pc) =	sbr.rel @p1 .LBB2_3-.Ltmp0, $4  }
0x4b: {  	p2 =	seq.s32 s1, $0x1;
	v8 =	vshll.u32 v1, $0x10;
	v1 =	vand.u32 $0xFFFF0000, v1;
	v4 =	vld [tilespmem:s30+$0x0]  }
0x4c: {  	v1 =	vpsel p2, v1, v8  }
0x4d: {  	v6 =	vmul.f32 v1, v6;
	v8 =	vmul.f32 v1, v5  }
0x4e: {  	v7 =	vmul.f32 v1, v7;
	v5 =	vmul.f32 v1, v9  }
0x4f: {  	[tilespmem:s26+$0x30] =	vst v8  }
0x50: {  	[tilespmem:s26+$0xFFFFFFC0] =	vst v6  }
0x51: {  	v0 =	vmul.f32 v1, v0;
	[tilespmem:s26+$0x10] =	vst v7  }
0x52: {  	v2 =	vmul.f32 v1, v2;
	[tilespmem:s26+$0xFFFFFFE0] =	vst v5  }
0x53: {  	v63 =	vmul.f32 v1, v3;
	[tilespmem:s26+$0xFFFFFFF0] =	vst v0  }
0x54: {  	s24 =	sadd.s32 $0x1, s24;
	v4 =	vmul.f32 v1, v4;
	[tilespmem:s26+$0x20] =	vst v2  }
0x55: {  	p1 =	sne.s32 s24, $0x4F;
	[tilespmem:s26+$0xFFFFFFD0] =	vst v63  }
.Ltmp1:
0x56: {  	s1 =	sadd.s32 $0x2800, s25;
	[tilespmem:s26+$0x0] =	vst v4;
	(pc) =	sbr.rel @p1 .LBB2_2-.Ltmp1, $4  }
0x57: {  	[spmem:s3] =	stream.indirect.scatter.add.f32 [tilespmem:s21], [sflag:$0x2], $0x80, s1, s18, $0xb8;
	[tilespmem:$0x1DC80] =	vst v63  }
0x58: {  	_ =	swait.ge [sflag:s15], $0x4000  }
0x59: {  	[sflag:s15] =	ssyncset.done $0x0  }
0x5a: {  	[sflag:s15] =	ssyncadd.s32 $0xFFFFC000  }
0x5b: {  	[bflag:$0x0] =	sbarrier.arrive $0xFFFF  }
0x5c: {  	[hbm:s11], [sflag:s6] =	dma.local [spmem:s14], $0x2700  }
0x5d: {  	s23 =	sadd.s32 $0x1, s23;
	_ =	swait.ge [sflag:s15], $0x2700  }
0x5e: {  	p1 =	sne.s32 s23, s13;
	[sflag:s15] =	ssyncset.done $0x0  }
.Ltmp2:
0x5f: {  	s1 =	simm.s32 @!p0 $0x2;
	[sflag:s15] =	ssyncadd.s32 $0xFFFFD900;
	(pc) =	sbr.rel @p1 .LBB2_1-.Ltmp2, $4  }
0x60: {  	[hbm:s12], [sflag:s6] =	dma.local @!p0 [spmem:s16], $0x100  }
0x61: {  	_ =	swait.ge @!p0 [sflag:s1], $0x100  }
0x62: {  	[sflag:s1] =	ssyncset.done @!p0 $0x0  }
0x63: {  	[sflag:s1] =	ssyncadd.s32 @!p0 $0xFFFFFF00  }
0x64: {  	_ =	sfence.sel $0x180000  }
0x65: {  	[bflag:$0x0] =	sbarrier.arrive $0xFFFF  }
0x66: {  	_ =	strace $0x90000047  }
0x67: {  	[bflag:$0x2] =	sbarrier.arrive $0xFFFF  }
0x68: {  	p0 =	sne.s32 s2, $0x0;
	s0 =	rddreg [dreg:$0x3]  }
0x69: {  	s0 =	sadd.s32 @!p0 $0x100000, s0  }
0x6a: {  	[sflag:s0] =	ssyncadd.tile.s32 @!p0 $0x1;
	_ =	shalt  }
.Lfunc_end2:
_tile_overlayer_lowered:
.L_overlay_start_2:
0x6b: {  	(tag) =	ssettag $0x2  }
0x6c: {  	s0 =	rddreg [dreg:$0x0];
	s2 =	stileid.u32  }
0x6d: {  	s1 =	rddreg [dreg:$0x1];
	p0 =	sne.s32 s2, $0x0  }
0x6e: {  	s3 =	rddreg [dreg:$0x2];
	[bflag:$0x3] =	sbarrier.arrive $0xFFFF;
	s2 =	simm.s32 @!p0 $0x1C02  }
0x6f: {  	[timem:s3], [sflag:s2] =	dma.local @!p0 [hbm:s0], s1  }
0x70: {  	s0 =	simm.s32 @!p0 $0x2  }
0x71: {  	_ =	swait.ge @!p0 [sflag:s0], s1  }
0x72: {  	s1 =	ssub.s32 @!p0 $0x0, s1;
	[sflag:s0] =	ssyncset.done @!p0 $0x0  }
0x73: {  	[sflag:s0] =	ssyncadd.s32 @!p0 s1  }
0x74: {  	[bflag:$0x3] =	sbarrier.arrive $0xFFFF  }
0x75: {  	_ =	shalt  }

</sc_bundles>
